<compile_context>
chip_gen: v7x
topology: tpu7x:2x2x1
jax: 0.10.2.dev20260603
libtpu: 0.0.44.dev20260713+nightly
codegen_flags: <defaults>
</compile_context>

<pallas_src>
import jax
import jax.numpy as jnp
from jax import lax
from jax.experimental import pallas as pl
from jax.experimental.pallas import tpu as pltpu
from jax.experimental.pallas import tpu_sc as plsc

_LANES = 16
_POS_INF_BITS = 0x7F800000


def _score_body(x_ref, y_ref, wc_ref, bc_ref, te_ref, w1_ref, b1_ref,
                w2_ref, b2_ref, out_ref):
    bn, d = x_ref.shape
    h = wc_ref.shape[1]
    cb = jnp.dot(y_ref[...], wc_ref[...],
                 preferred_element_type=jnp.float32) + bc_ref[...]
    te = jnp.broadcast_to(te_ref[0], (bn, d))
    hcat = jnp.concatenate([x_ref[...], cb, te], axis=-1)
    pre = jnp.dot(hcat, w1_ref[...],
                  preferred_element_type=jnp.float32) + b1_ref[...]
    act = jnp.maximum(pre, 0.0)
    out_ref[...] = (
        jnp.dot(act, w2_ref[...], preferred_element_type=jnp.float32) + b2_ref[...]
    )


def _build_fix(n_tokens, n_rows, min_tokens):
    info = plsc.get_sparse_core_info()
    nc = info.num_cores
    mesh = plsc.VectorSubcoreMesh(core_axis_name="c", subcore_axis_name="s")
    chunks = n_tokens // _LANES

    tiles = None
    ns = info.num_subcores
    n_tiles = nc * ns
    tiles_per_row = n_tiles // n_rows
    span = n_tokens // tiles_per_row
    sch = span // _LANES

    def body(logits_hbm, bits_hbm, out_hbm, row_v, key_v, mask_v, red_v):
        c = lax.axis_index("c")
        s = lax.axis_index("s")
        wid = c * ns + s
        row = wid // tiles_per_row
        slot = wid - row * tiles_per_row
        one = jnp.ones((_LANES,), jnp.int32)
        zero = jnp.zeros((_LANES,), jnp.int32)

        base = row * n_tokens + slot * span
        pltpu.sync_copy(logits_hbm.at[pl.ds(base, span)],
                        row_v.at[pl.ds(0, span)])

        def sbody(i, carry):
            sl = pl.ds(i * _LANES, _LANES)
            mask_v[sl] = jnp.where(row_v[sl] > 0.0, one, zero)
            return carry

        lax.fori_loop(0, sch, sbody, jnp.int32(0))
        pltpu.sync_copy(mask_v.at[pl.ds(0, span)],
                        out_hbm.at[pl.ds(base, span)])

        plsc.subcore_barrier()

        @pl.when(slot == 0)
        def _():
            rbase = row * n_tokens
            pltpu.sync_copy(logits_hbm.at[pl.ds(rbase, n_tokens)], row_v)

            def splat_sum(x):
                for off in (8, 4, 2, 1):
                    red_v[pl.ds(0, _LANES)] = x
                    red_v[pl.ds(_LANES, _LANES)] = x
                    x = red_v[pl.ds(0, _LANES)] + red_v[pl.ds(off, _LANES)]
                return x

            def count_ind(cond, acc):
                return acc + jnp.where(cond, one, zero)

            def nproc_body(i, acc):
                v = row_v[pl.ds(i * _LANES, _LANES)]
                return count_ind(v <= 0.0, acc)

            nproc_vec = splat_sum(lax.fori_loop(0, chunks, nproc_body, zero))
            k_need_vec = jnp.full((_LANES,), min_tokens, jnp.int32) - nproc_vec
            k_need = k_need_vec[0]

            @pl.when(k_need > 0)
            def _():
                pltpu.sync_copy(bits_hbm.at[pl.ds(rbase, n_tokens)], key_v)

                def keys_at(i):
                    sl = pl.ds(i * _LANES, _LANES)
                    v = row_v[sl]
                    return v, jnp.where(v > 0.0, key_v[sl],
                                        jnp.int32(_POS_INF_BITS))

                def count_le(t_vec):
                    def cbody(i, acc):
                        _, k = keys_at(i)
                        return count_ind(k <= t_vec, acc)

                    return splat_sum(lax.fori_loop(0, chunks, cbody, zero))

                def bis(_, lohi):
                    lo, hi = lohi
                    mid = lo + ((hi - lo) >> 1)
                    ge = count_le(mid) >= k_need_vec
                    return jnp.where(ge, lo, mid), jnp.where(ge, mid, hi)

                _, kth = lax.fori_loop(
                    0, 32, bis,
                    (jnp.full((_LANES,), -1, jnp.int32),
                     jnp.full((_LANES,), _POS_INF_BITS, jnp.int32)))

                need_eq = k_need_vec - count_le(kth - one)

                def count_tie_le(p_vec):
                    def tbody(i, carry):
                        acc, idx = carry
                        _, k = keys_at(i)
                        tie = jnp.where(k == kth, one, zero)
                        below = jnp.where(idx <= p_vec, one, zero)
                        return acc + tie * below, idx + jnp.int32(_LANES)

                    acc, _ = lax.fori_loop(
                        0, chunks, tbody, (zero, lax.iota(jnp.int32, _LANES)))
                    return splat_sum(acc)

                def tbis(_, lohi):
                    lo, hi = lohi
                    mid = lo + ((hi - lo) >> 1)
                    ge = count_tie_le(mid) >= need_eq
                    return jnp.where(ge, lo, mid), jnp.where(ge, mid, hi)

                _, pstar = lax.fori_loop(
                    0, 14, tbis,
                    (jnp.full((_LANES,), -1, jnp.int32),
                     jnp.full((_LANES,), n_tokens - 1, jnp.int32)))

                def wbody(i, idx):
                    v, k = keys_at(i)
                    lt = jnp.where(k < kth, one, zero)
                    tie = jnp.where(k == kth, one, zero)
                    below = jnp.where(idx <= pstar, one, zero)
                    unskip = lt + tie * below
                    mask_v[pl.ds(i * _LANES, _LANES)] = jnp.where(
                        v > 0.0, one - unskip, zero)
                    return idx + jnp.int32(_LANES)

                lax.fori_loop(0, chunks, wbody, lax.iota(jnp.int32, _LANES))
                pltpu.sync_copy(mask_v,
                                out_hbm.at[pl.ds(rbase, n_tokens)])

    return pl.kernel(
        body,
        mesh=mesh,
        out_type=jax.ShapeDtypeStruct((n_rows * n_tokens,), jnp.int32),
        scratch_types=[
            pltpu.VMEM((n_tokens,), jnp.float32),
            pltpu.VMEM((n_tokens,), jnp.int32),
            pltpu.VMEM((n_tokens,), jnp.int32),
            pltpu.VMEM((2 * _LANES,), jnp.int32),
        ],
    )


def kernel(tokens_B, ctx_C_summary, t_embed, t, W_ctx, b_ctx, W1, b1, W2, b2):
    del t
    bsz, n, d = tokens_B.shape
    h = W_ctx.shape[1]
    bn = 2048
    grid = (bsz * n) // bn
    nb_per_row = n // bn

    x = tokens_B.reshape(bsz * n, d)
    y = ctx_C_summary.reshape(bsz * n, d)
    te3 = t_embed.reshape(bsz, 1, d)

    logits = pl.pallas_call(
        _score_body,
        grid=(grid,),
        in_specs=[
            pl.BlockSpec((bn, d), lambda i: (i, 0)),
            pl.BlockSpec((bn, d), lambda i: (i, 0)),
            pl.BlockSpec((d, h), lambda i: (0, 0)),
            pl.BlockSpec((1, h), lambda i: (0, 0)),
            pl.BlockSpec((1, 1, d), lambda i: (i // nb_per_row, 0, 0)),
            pl.BlockSpec((2 * d + h, h), lambda i: (0, 0)),
            pl.BlockSpec((1, h), lambda i: (0, 0)),
            pl.BlockSpec((h, 1), lambda i: (0, 0)),
            pl.BlockSpec((1, 1), lambda i: (0, 0)),
        ],
        out_specs=pl.BlockSpec((bn, 1), lambda i: (i, 0)),
        out_shape=jax.ShapeDtypeStruct((bsz * n, 1), jnp.float32),
        compiler_params=pltpu.CompilerParams(
            dimension_semantics=("parallel",)),
    )(x, y, W_ctx, b_ctx.reshape(1, h), te3, W1, b1.reshape(1, h), W2,
      b2.reshape(1, 1))

    min_tok = max(1, int(n * 0.2))
    fix = _build_fix(n, bsz, min_tok)
    logits_flat = logits.reshape(bsz * n)
    bits_flat = lax.bitcast_convert_type(logits_flat, jnp.int32)
    mask_flat = fix(logits_flat, bits_flat)
    return mask_flat.reshape(bsz, n) != 0

# --- scband reference (transcript-rebuilt; emitter-appended) ---
"""Pipeline reference for scband-learned-skip-predictor-78288663872326 (READ-ONLY COPY).

The authoritative reference and input builder live on the scoring server;
editing this copy changes nothing except your own understanding.
"""

import jax, jax.numpy as jnp
import numpy as np

B, N, D, H = 4, 8192, 768, 128
MIN_FRACTION = 0.2
MIN_TOKENS = max(1, int(N * MIN_FRACTION))


def setup_inputs(seed: int = 0) -> dict:
    key = jax.random.key(seed)
    ks = jax.random.split(key, 9)
    tokens_B = jax.random.normal(ks[0], (B, N, D), dtype=jnp.float32)
    ctx_C_summary = jax.random.normal(ks[1], (B, N, D), dtype=jnp.float32)
    t_embed = jax.random.normal(ks[2], (B, D), dtype=jnp.float32)
    s_ctx = 1.0 / np.sqrt(D)
    W_ctx = jax.random.uniform(ks[3], (D, H), jnp.float32, -s_ctx, s_ctx)
    b_ctx = jax.random.uniform(ks[4], (H,), jnp.float32, -s_ctx, s_ctx)
    fan1 = D + H + D
    s1 = 1.0 / np.sqrt(fan1)
    W1 = jax.random.uniform(ks[5], (fan1, H), jnp.float32, -s1, s1)
    b1 = jax.random.uniform(ks[6], (H,), jnp.float32, -s1, s1)
    s2 = 1.0 / np.sqrt(H)
    W2 = jax.random.uniform(ks[7], (H, 1), jnp.float32, -s2, s2)
    b2 = jax.random.uniform(ks[8], (1,), jnp.float32, -s2, s2)
    return {"tokens_B": tokens_B, "ctx_C_summary": ctx_C_summary, "t_embed": t_embed, "t": 500,
            "W_ctx": W_ctx, "b_ctx": b_ctx, "W1": W1, "b1": b1, "W2": W2, "b2": b2}


def reference(tokens_B, ctx_C_summary, t_embed, t, W_ctx, b_ctx, W1, b1, W2, b2):
    ctx_bn = ctx_C_summary @ W_ctx + b_ctx
    t_exp = jnp.broadcast_to(t_embed[:, None, :], (B, N, D))
    h = jnp.concatenate([tokens_B, ctx_bn, t_exp], axis=-1)
    logits = (jax.nn.relu(h @ W1 + b1) @ W2 + b2)[..., 0]
    skip_score = jax.nn.sigmoid(logits)
    skip_mask = skip_score > 0.5

    def fix_row(mask, score):
        n_proc = jnp.sum(jnp.logical_not(mask))
        n_unskip = jnp.maximum(0, MIN_TOKENS - n_proc)
        s = jnp.where(mask, score, jnp.inf)
        order = jnp.argsort(s)
        ranks = jnp.argsort(order)
        unskip = (ranks < n_unskip) & mask
        return mask & jnp.logical_not(unskip)

    skip_mask = jax.vmap(fix_row)(skip_mask, skip_score)
    return skip_mask

if __name__ == "__main__":
    import jax
    _d = setup_inputs()
    print(jax.jit(kernel)(*tuple(_d.values())))

</pallas_src>

<mosaic_0001>
#map = affine_map<(d0, d1) -> (0)>
module attributes {stable_mosaic.version = 14 : i64} {
  func.func @body(%arg0: i32, %arg1: i32, %arg2: memref<32768xf32, #tpu.memory_space<hbm>>, %arg3: memref<32768xi32, #tpu.memory_space<hbm>>, %arg4: memref<32768xi32, #tpu.memory_space<hbm>>, %arg5: memref<8192xf32, #tpu.memory_space<vmem>>, %arg6: memref<8192xi32, #tpu.memory_space<vmem>>, %arg7: memref<8192xi32, #tpu.memory_space<vmem>>, %arg8: memref<32xi32, #tpu.memory_space<vmem>>) attributes {dimension_semantics = [#tpu.dimension_semantics<core_parallel>, #tpu.dimension_semantics<subcore_parallel>], iteration_bounds = array<i64: 2, 16>, scalar_prefetch = 0 : i64, scratch_operands = 4 : i64, tpu.core_type = #tpu.core_type<sc_vector_subcore>, window_params = [{transform_indices = #map}, {transform_indices = #map}, {transform_indices = #map}]} {
    %mul3A = arith.constant 16 : i32
    %mul3A_0 = arith.muli %arg0, %mul3A : i32
    %add3A = arith.addi %mul3A_0, %arg1 : i32
    %jit3A = arith.constant 8 : i32
    %div3A = arith.divsi %add3A, %jit3A : i32
    %sign3A = arith.constant 0 : i32
    %sign3A_1 = arith.cmpi sgt, %add3A, %sign3A : i32
    %sign3A_2 = arith.extui %sign3A_1 : i1 to i32
    %sign3A_3 = arith.constant 0 : i32
    %sign3A_4 = arith.cmpi slt, %add3A, %sign3A_3 : i32
    %sign3A_5 = arith.extui %sign3A_4 : i1 to i32
    %sign3A_6 = arith.subi %sign3A_2, %sign3A_5 : i32
    %sign3A_7 = arith.constant 0 : i32
    %sign3A_8 = arith.cmpi sgt, %jit3A, %sign3A_7 : i32
    %sign3A_9 = arith.extui %sign3A_8 : i1 to i32
    %sign3A_10 = arith.constant 0 : i32
    %sign3A_11 = arith.cmpi slt, %jit3A, %sign3A_10 : i32
    %sign3A_12 = arith.extui %sign3A_11 : i1 to i32
    %sign3A_13 = arith.subi %sign3A_9, %sign3A_12 : i32
    %ne3A = arith.cmpi ne, %sign3A_6, %sign3A_13 : i32
    %rem3A = arith.remsi %add3A, %jit3A : i32
    %ne3A_14 = arith.constant 0 : i32
    %ne3A_15 = arith.cmpi ne, %rem3A, %ne3A_14 : i32
    %and3A = arith.andi %ne3A, %ne3A_15 : i1
    %sub3A = arith.constant 1 : i32
    %sub3A_16 = arith.subi %div3A, %sub3A : i32
    %select_n3A = arith.select %and3A, %sub3A_16, %div3A : i32
    %mul3A_17 = arith.constant 8 : i32
    %mul3A_18 = arith.muli %select_n3A, %mul3A_17 : i32
    %sub3A_19 = arith.subi %add3A, %mul3A_18 : i32
    %broadcast_in_dim3A = arith.constant 1 : i32
    %broadcast_in_dim3A_20 = vector.broadcast %broadcast_in_dim3A : i32 to vector<16xi32>
    %broadcast_in_dim3A_21 = arith.constant 0 : i32
    %broadcast_in_dim3A_22 = vector.broadcast %broadcast_in_dim3A_21 : i32 to vector<16xi32>
    %mul3A_23 = arith.constant 8192 : i32
    %mul3A_24 = arith.muli %select_n3A, %mul3A_23 : i32
    %mul3A_25 = arith.constant 1024 : i32
    %mul3A_26 = arith.muli %sub3A_19, %mul3A_25 : i32
    %add3A_27 = arith.addi %mul3A_24, %mul3A_26 : i32
    "tpu.region"() ({
      %run_scoped3A = tpu.sem_alloc : memref<!tpu.dma_semaphore, #tpu.memory_space<semaphore_mem>>
      %dma_start3A = arith.constant 0 : i32
      %dma_start3A_35 = tpu.memref_slice %arg5[%dma_start3A] : memref<8192xf32, #tpu.memory_space<vmem>> -> memref<1024xf32, #tpu.memory_space<vmem>>
      %dma_start3A_36 = tpu.memref_slice %arg2[%add3A_27] : memref<32768xf32, #tpu.memory_space<hbm>> -> memref<1024xf32, #tpu.memory_space<hbm>>
      %dma_start3A_37 = arith.constant 0 : i32
      %dma_start3A_38 = tpu.memref_slice %arg5[%dma_start3A_37] : memref<8192xf32, #tpu.memory_space<vmem>> -> memref<1024xf32, #tpu.memory_space<vmem>>
      %dma_start3A_39 = tpu.memref_slice %arg2[%add3A_27] : memref<32768xf32, #tpu.memory_space<hbm>> -> memref<1024xf32, #tpu.memory_space<hbm>>
      tpu.enqueue_dma source(%dma_start3A_39 : memref<1024xf32, #tpu.memory_space<hbm>>) target(%dma_start3A_38 : memref<1024xf32, #tpu.memory_space<vmem>>) target_semaphore(%run_scoped3A : memref<!tpu.dma_semaphore, #tpu.memory_space<semaphore_mem>>)
      %dma_wait3A = arith.constant 0 : i32
      %dma_wait3A_40 = tpu.memref_slice %arg5[%dma_wait3A] : memref<8192xf32, #tpu.memory_space<vmem>> -> memref<1024xf32, #tpu.memory_space<vmem>>
      %dma_wait3A_41 = tpu.memref_slice %arg2[%add3A_27] : memref<32768xf32, #tpu.memory_space<hbm>> -> memref<1024xf32, #tpu.memory_space<hbm>>
      %dma_wait3A_42 = arith.constant 0 : i32
      %dma_wait3A_43 = tpu.memref_slice %arg5[%dma_wait3A_42] : memref<8192xf32, #tpu.memory_space<vmem>> -> memref<1024xf32, #tpu.memory_space<vmem>>
      %dma_wait3A_44 = tpu.memref_slice %arg2[%add3A_27] : memref<32768xf32, #tpu.memory_space<hbm>> -> memref<1024xf32, #tpu.memory_space<hbm>>
      tpu.wait_dma2 semaphore(%run_scoped3A : memref<!tpu.dma_semaphore, #tpu.memory_space<semaphore_mem>>) src(%dma_wait3A_44 : memref<1024xf32, #tpu.memory_space<hbm>>) dst(%dma_wait3A_43 : memref<1024xf32, #tpu.memory_space<vmem>>)
      tpu.yield
    }) : () -> ()
    %scan3A = arith.constant 0 : i32
    %scan3A_28 = arith.constant 0 : i32
    %scan3A_29 = arith.constant 64 : i32
    %scan3A_30 = arith.addi %scan3A_28, %scan3A_29 : i32
    %scan3A_31 = arith.constant 1 : i32
    scf.for %scan3A_35 = %scan3A_28 to %scan3A_30 step %scan3A_31  : i32 {
      %mul3A_36 = arith.constant 16 : i32
      %mul3A_37 = arith.muli %scan3A_35, %mul3A_36 : i32
      %get3A = arith.index_cast %mul3A_37 : i32 to index
      %get3A_38 = tpu.vector_load %arg5[%get3A] {strides = array<i32>} : memref<8192xf32, #tpu.memory_space<vmem>>, vector<16xf32>,
      %get3A_39 = vector.shape_cast %get3A_38 : vector<16xf32> to vector<16xf32>
      %gt3A = arith.constant 0.000000e+00 : f32
      %gt3A_40 = vector.broadcast %gt3A : f32 to vector<16xf32>
      %gt3A_41 = arith.cmpf ogt, %get3A_39, %gt3A_40 : vector<16xf32>
      %select_n3A_42 = arith.select %gt3A_41, %broadcast_in_dim3A_20, %broadcast_in_dim3A_22 : vector<16xi1>, vector<16xi32>
      %swap3A = arith.index_cast %mul3A_37 : i32 to index
      %swap3A_43 = tpu.vector_load %arg7[%swap3A] {strides = array<i32>} : memref<8192xi32, #tpu.memory_space<vmem>>, vector<16xi32>,
      %swap3A_44 = vector.shape_cast %swap3A_43 : vector<16xi32> to vector<16xi32>
      %swap3A_45 = vector.shape_cast %select_n3A_42 : vector<16xi32> to vector<16xi32>
      tpu.vector_store %arg7[%swap3A], %swap3A_45 {strides = array<i32>} : memref<8192xi32, #tpu.memory_space<vmem>>, vector<16xi32>,
    }
    %scan3A_32 = arith.constant 64 : i32
    "tpu.region"() ({
      %run_scoped3A = tpu.sem_alloc : memref<!tpu.dma_semaphore, #tpu.memory_space<semaphore_mem>>
      %dma_start3A = arith.constant 0 : i32
      %dma_start3A_35 = tpu.memref_slice %arg7[%dma_start3A] : memref<8192xi32, #tpu.memory_space<vmem>> -> memref<1024xi32, #tpu.memory_space<vmem>>
      %dma_start3A_36 = tpu.memref_slice %arg4[%add3A_27] : memref<32768xi32, #tpu.memory_space<hbm>> -> memref<1024xi32, #tpu.memory_space<hbm>>
      %dma_start3A_37 = tpu.memref_slice %arg4[%add3A_27] : memref<32768xi32, #tpu.memory_space<hbm>> -> memref<1024xi32, #tpu.memory_space<hbm>>
      %dma_start3A_38 = arith.constant 0 : i32
      %dma_start3A_39 = tpu.memref_slice %arg7[%dma_start3A_38] : memref<8192xi32, #tpu.memory_space<vmem>> -> memref<1024xi32, #tpu.memory_space<vmem>>
      tpu.enqueue_dma source(%dma_start3A_39 : memref<1024xi32, #tpu.memory_space<vmem>>) target(%dma_start3A_37 : memref<1024xi32, #tpu.memory_space<hbm>>) target_semaphore(%run_scoped3A : memref<!tpu.dma_semaphore, #tpu.memory_space<semaphore_mem>>)
      %dma_wait3A = arith.constant 0 : i32
      %dma_wait3A_40 = tpu.memref_slice %arg7[%dma_wait3A] : memref<8192xi32, #tpu.memory_space<vmem>> -> memref<1024xi32, #tpu.memory_space<vmem>>
      %dma_wait3A_41 = tpu.memref_slice %arg4[%add3A_27] : memref<32768xi32, #tpu.memory_space<hbm>> -> memref<1024xi32, #tpu.memory_space<hbm>>
      %dma_wait3A_42 = tpu.memref_slice %arg4[%add3A_27] : memref<32768xi32, #tpu.memory_space<hbm>> -> memref<1024xi32, #tpu.memory_space<hbm>>
      %dma_wait3A_43 = arith.constant 0 : i32
      %dma_wait3A_44 = tpu.memref_slice %arg7[%dma_wait3A_43] : memref<8192xi32, #tpu.memory_space<vmem>> -> memref<1024xi32, #tpu.memory_space<vmem>>
      tpu.wait_dma2 semaphore(%run_scoped3A : memref<!tpu.dma_semaphore, #tpu.memory_space<semaphore_mem>>) src(%dma_wait3A_44 : memref<1024xi32, #tpu.memory_space<vmem>>) dst(%dma_wait3A_42 : memref<1024xi32, #tpu.memory_space<hbm>>)
      tpu.yield
    }) : () -> ()
    %barrier3A = arith.constant 0 : index
    tpu.barrier barrier_id(%barrier3A)
    %eq3A = arith.constant 0 : i32
    %eq3A_33 = arith.cmpi eq, %sub3A_19, %eq3A : i32
    %convert_element_type3A = arith.extui %eq3A_33 : i1 to i32
    %cond3A = arith.constant 0 : i32
    %cond3A_34 = arith.cmpi ne, %convert_element_type3A, %cond3A : i32
    scf.if %cond3A_34 {
      %mul3A_35 = arith.constant 8192 : i32
      %mul3A_36 = arith.muli %select_n3A, %mul3A_35 : i32
      "tpu.region"() ({
        %run_scoped3A = tpu.sem_alloc : memref<!tpu.dma_semaphore, #tpu.memory_space<semaphore_mem>>
        %dma_start3A = tpu.memref_slice %arg2[%mul3A_36] : memref<32768xf32, #tpu.memory_space<hbm>> -> memref<8192xf32, #tpu.memory_space<hbm>>
        %dma_start3A_108 = tpu.memref_slice %arg2[%mul3A_36] : memref<32768xf32, #tpu.memory_space<hbm>> -> memref<8192xf32, #tpu.memory_space<hbm>>
        tpu.enqueue_dma source(%dma_start3A_108 : memref<8192xf32, #tpu.memory_space<hbm>>) target(%arg5 : memref<8192xf32, #tpu.memory_space<vmem>>) target_semaphore(%run_scoped3A : memref<!tpu.dma_semaphore, #tpu.memory_space<semaphore_mem>>)
        %dma_wait3A = tpu.memref_slice %arg2[%mul3A_36] : memref<32768xf32, #tpu.memory_space<hbm>> -> memref<8192xf32, #tpu.memory_space<hbm>>
        %dma_wait3A_109 = tpu.memref_slice %arg2[%mul3A_36] : memref<32768xf32, #tpu.memory_space<hbm>> -> memref<8192xf32, #tpu.memory_space<hbm>>
        tpu.wait_dma2 semaphore(%run_scoped3A : memref<!tpu.dma_semaphore, #tpu.memory_space<semaphore_mem>>) src(%dma_wait3A_109 : memref<8192xf32, #tpu.memory_space<hbm>>) dst(%arg5 : memref<8192xf32, #tpu.memory_space<vmem>>)
        tpu.yield
      }) : () -> ()
      %scan3A_37 = arith.constant 0 : i32
      %scan3A_38 = arith.constant 512 : i32
      %scan3A_39 = arith.addi %scan3A_37, %scan3A_38 : i32
      %scan3A_40 = arith.constant 1 : i32
      %scan3A_41 = scf.for %scan3A_108 = %scan3A_37 to %scan3A_39 step %scan3A_40 iter_args(%scan3A_109 = %broadcast_in_dim3A_22) -> (vector<16xi32>)  : i32 {
        %mul3A_110 = arith.constant 16 : i32
        %mul3A_111 = arith.muli %scan3A_108, %mul3A_110 : i32
        %get3A_112 = arith.index_cast %mul3A_111 : i32 to index
        %get3A_113 = tpu.vector_load %arg5[%get3A_112] {strides = array<i32>} : memref<8192xf32, #tpu.memory_space<vmem>>, vector<16xf32>,
        %get3A_114 = vector.shape_cast %get3A_113 : vector<16xf32> to vector<16xf32>
        %le3A = arith.constant 0.000000e+00 : f32
        %le3A_115 = vector.broadcast %le3A : f32 to vector<16xf32>
        %le3A_116 = arith.cmpf ole, %get3A_114, %le3A_115 : vector<16xf32>
        %select_n3A_117 = arith.select %le3A_116, %broadcast_in_dim3A_20, %broadcast_in_dim3A_22 : vector<16xi1>, vector<16xi32>
        %add3A_118 = arith.addi %scan3A_109, %select_n3A_117 : vector<16xi32>
        scf.yield %add3A_118 : vector<16xi32>
      }
      %scan3A_42 = arith.constant 512 : i32
      %swap3A = arith.constant 0 : index
      %swap3A_43 = tpu.vector_load %arg8[%swap3A] {strides = array<i32>} : memref<32xi32, #tpu.memory_space<vmem>>, vector<16xi32>,
      %swap3A_44 = vector.shape_cast %swap3A_43 : vector<16xi32> to vector<16xi32>
      %swap3A_45 = vector.shape_cast %scan3A_41 : vector<16xi32> to vector<16xi32>
      tpu.vector_store %arg8[%swap3A], %swap3A_45 {strides = array<i32>} : memref<32xi32, #tpu.memory_space<vmem>>, vector<16xi32>,
      %swap3A_46 = arith.constant 16 : index
      %swap3A_47 = tpu.vector_load %arg8[%swap3A_46] {strides = array<i32>} : memref<32xi32, #tpu.memory_space<vmem>>, vector<16xi32>,
      %swap3A_48 = vector.shape_cast %swap3A_47 : vector<16xi32> to vector<16xi32>
      %swap3A_49 = vector.shape_cast %scan3A_41 : vector<16xi32> to vector<16xi32>
      tpu.vector_store %arg8[%swap3A_46], %swap3A_49 {strides = array<i32>} : memref<32xi32, #tpu.memory_space<vmem>>, vector<16xi32>,
      %get3A = arith.constant 0 : index
      %get3A_50 = tpu.vector_load %arg8[%get3A] {strides = array<i32>} : memref<32xi32, #tpu.memory_space<vmem>>, vector<16xi32>,
      %get3A_51 = vector.shape_cast %get3A_50 : vector<16xi32> to vector<16xi32>
      %get3A_52 = arith.constant 8 : index
      %get3A_53 = tpu.vector_load %arg8[%get3A_52] {strides = array<i32>} : memref<32xi32, #tpu.memory_space<vmem>>, vector<16xi32>,
      %get3A_54 = vector.shape_cast %get3A_53 : vector<16xi32> to vector<16xi32>
      %add3A_55 = arith.addi %get3A_51, %get3A_54 : vector<16xi32>
      %swap3A_56 = arith.constant 0 : index
      %swap3A_57 = tpu.vector_load %arg8[%swap3A_56] {strides = array<i32>} : memref<32xi32, #tpu.memory_space<vmem>>, vector<16xi32>,
      %swap3A_58 = vector.shape_cast %swap3A_57 : vector<16xi32> to vector<16xi32>
      %swap3A_59 = vector.shape_cast %add3A_55 : vector<16xi32> to vector<16xi32>
      tpu.vector_store %arg8[%swap3A_56], %swap3A_59 {strides = array<i32>} : memref<32xi32, #tpu.memory_space<vmem>>, vector<16xi32>,
      %swap3A_60 = arith.constant 16 : index
      %swap3A_61 = tpu.vector_load %arg8[%swap3A_60] {strides = array<i32>} : memref<32xi32, #tpu.memory_space<vmem>>, vector<16xi32>,
      %swap3A_62 = vector.shape_cast %swap3A_61 : vector<16xi32> to vector<16xi32>
      %swap3A_63 = vector.shape_cast %add3A_55 : vector<16xi32> to vector<16xi32>
      tpu.vector_store %arg8[%swap3A_60], %swap3A_63 {strides = array<i32>} : memref<32xi32, #tpu.memory_space<vmem>>, vector<16xi32>,
      %get3A_64 = arith.constant 0 : index
      %get3A_65 = tpu.vector_load %arg8[%get3A_64] {strides = array<i32>} : memref<32xi32, #tpu.memory_space<vmem>>, vector<16xi32>,
      %get3A_66 = vector.shape_cast %get3A_65 : vector<16xi32> to vector<16xi32>
      %get3A_67 = arith.constant 4 : index
      %get3A_68 = tpu.vector_load %arg8[%get3A_67] {strides = array<i32>} : memref<32xi32, #tpu.memory_space<vmem>>, vector<16xi32>,
      %get3A_69 = vector.shape_cast %get3A_68 : vector<16xi32> to vector<16xi32>
      %add3A_70 = arith.addi %get3A_66, %get3A_69 : vector<16xi32>
      %swap3A_71 = arith.constant 0 : index
      %swap3A_72 = tpu.vector_load %arg8[%swap3A_71] {strides = array<i32>} : memref<32xi32, #tpu.memory_space<vmem>>, vector<16xi32>,
      %swap3A_73 = vector.shape_cast %swap3A_72 : vector<16xi32> to vector<16xi32>
      %swap3A_74 = vector.shape_cast %add3A_70 : vector<16xi32> to vector<16xi32>
      tpu.vector_store %arg8[%swap3A_71], %swap3A_74 {strides = array<i32>} : memref<32xi32, #tpu.memory_space<vmem>>, vector<16xi32>,
      %swap3A_75 = arith.constant 16 : index
      %swap3A_76 = tpu.vector_load %arg8[%swap3A_75] {strides = array<i32>} : memref<32xi32, #tpu.memory_space<vmem>>, vector<16xi32>,
      %swap3A_77 = vector.shape_cast %swap3A_76 : vector<16xi32> to vector<16xi32>
      %swap3A_78 = vector.shape_cast %add3A_70 : vector<16xi32> to vector<16xi32>
      tpu.vector_store %arg8[%swap3A_75], %swap3A_78 {strides = array<i32>} : memref<32xi32, #tpu.memory_space<vmem>>, vector<16xi32>,
      %get3A_79 = arith.constant 0 : index
      %get3A_80 = tpu.vector_load %arg8[%get3A_79] {strides = array<i32>} : memref<32xi32, #tpu.memory_space<vmem>>, vector<16xi32>,
      %get3A_81 = vector.shape_cast %get3A_80 : vector<16xi32> to vector<16xi32>
      %get3A_82 = arith.constant 2 : index
      %get3A_83 = tpu.vector_load %arg8[%get3A_82] {strides = array<i32>} : memref<32xi32, #tpu.memory_space<vmem>>, vector<16xi32>,
      %get3A_84 = vector.shape_cast %get3A_83 : vector<16xi32> to vector<16xi32>
      %add3A_85 = arith.addi %get3A_81, %get3A_84 : vector<16xi32>
      %swap3A_86 = arith.constant 0 : index
      %swap3A_87 = tpu.vector_load %arg8[%swap3A_86] {strides = array<i32>} : memref<32xi32, #tpu.memory_space<vmem>>, vector<16xi32>,
      %swap3A_88 = vector.shape_cast %swap3A_87 : vector<16xi32> to vector<16xi32>
      %swap3A_89 = vector.shape_cast %add3A_85 : vector<16xi32> to vector<16xi32>
      tpu.vector_store %arg8[%swap3A_86], %swap3A_89 {strides = array<i32>} : memref<32xi32, #tpu.memory_space<vmem>>, vector<16xi32>,
      %swap3A_90 = arith.constant 16 : index
      %swap3A_91 = tpu.vector_load %arg8[%swap3A_90] {strides = array<i32>} : memref<32xi32, #tpu.memory_space<vmem>>, vector<16xi32>,
      %swap3A_92 = vector.shape_cast %swap3A_91 : vector<16xi32> to vector<16xi32>
      %swap3A_93 = vector.shape_cast %add3A_85 : vector<16xi32> to vector<16xi32>
      tpu.vector_store %arg8[%swap3A_90], %swap3A_93 {strides = array<i32>} : memref<32xi32, #tpu.memory_space<vmem>>, vector<16xi32>,
      %get3A_94 = arith.constant 0 : index
      %get3A_95 = tpu.vector_load %arg8[%get3A_94] {strides = array<i32>} : memref<32xi32, #tpu.memory_space<vmem>>, vector<16xi32>,
      %get3A_96 = vector.shape_cast %get3A_95 : vector<16xi32> to vector<16xi32>
      %get3A_97 = arith.constant 1 : index
      %get3A_98 = tpu.vector_load %arg8[%get3A_97] {strides = array<i32>} : memref<32xi32, #tpu.memory_space<vmem>>, vector<16xi32>,
      %get3A_99 = vector.shape_cast %get3A_98 : vector<16xi32> to vector<16xi32>
      %add3A_100 = arith.addi %get3A_96, %get3A_99 : vector<16xi32>
      %broadcast_in_dim3A_101 = arith.constant 1638 : i32
      %broadcast_in_dim3A_102 = vector.broadcast %broadcast_in_dim3A_101 : i32 to vector<16xi32>
      %sub3A_103 = arith.subi %broadcast_in_dim3A_102, %add3A_100 : vector<16xi32>
      %slice3A = vector.extract_strided_slice %sub3A_103 {offsets = [0], sizes = [1], strides = [1]} : vector<16xi32> to vector<1xi32>
      %squeeze3A = vector.extract %slice3A[0] : i32 from vector<1xi32>
      %gt3A = arith.constant 0 : i32
      %gt3A_104 = arith.cmpi sgt, %squeeze3A, %gt3A : i32
      %convert_element_type3A_105 = arith.extui %gt3A_104 : i1 to i32
      %cond3A_106 = arith.constant 0 : i32
      %cond3A_107 = arith.cmpi ne, %convert_element_type3A_105, %cond3A_106 : i32
      scf.if %cond3A_107 {
        "tpu.region"() ({
          %run_scoped3A = tpu.sem_alloc : memref<!tpu.dma_semaphore, #tpu.memory_space<semaphore_mem>>
          %dma_start3A = tpu.memref_slice %arg3[%mul3A_36] : memref<32768xi32, #tpu.memory_space<hbm>> -> memref<8192xi32, #tpu.memory_space<hbm>>
          %dma_start3A_202 = tpu.memref_slice %arg3[%mul3A_36] : memref<32768xi32, #tpu.memory_space<hbm>> -> memref<8192xi32, #tpu.memory_space<hbm>>
          tpu.enqueue_dma source(%dma_start3A_202 : memref<8192xi32, #tpu.memory_space<hbm>>) target(%arg6 : memref<8192xi32, #tpu.memory_space<vmem>>) target_semaphore(%run_scoped3A : memref<!tpu.dma_semaphore, #tpu.memory_space<semaphore_mem>>)
          %dma_wait3A = tpu.memref_slice %arg3[%mul3A_36] : memref<32768xi32, #tpu.memory_space<hbm>> -> memref<8192xi32, #tpu.memory_space<hbm>>
          %dma_wait3A_203 = tpu.memref_slice %arg3[%mul3A_36] : memref<32768xi32, #tpu.memory_space<hbm>> -> memref<8192xi32, #tpu.memory_space<hbm>>
          tpu.wait_dma2 semaphore(%run_scoped3A : memref<!tpu.dma_semaphore, #tpu.memory_space<semaphore_mem>>) src(%dma_wait3A_203 : memref<8192xi32, #tpu.memory_space<hbm>>) dst(%arg6 : memref<8192xi32, #tpu.memory_space<vmem>>)
          tpu.yield
        }) : () -> ()
        %broadcast_in_dim3A_108 = arith.constant -1 : i32
        %broadcast_in_dim3A_109 = vector.broadcast %broadcast_in_dim3A_108 : i32 to vector<16xi32>
        %broadcast_in_dim3A_110 = arith.constant 2139095040 : i32
        %broadcast_in_dim3A_111 = vector.broadcast %broadcast_in_dim3A_110 : i32 to vector<16xi32>
        %scan3A_112 = arith.constant 0 : i32
        %scan3A_113 = arith.constant 32 : i32
        %scan3A_114 = arith.addi %scan3A_112, %scan3A_113 : i32
        %scan3A_115 = arith.constant 1 : i32
        %scan3A_116:2 = scf.for %scan3A_202 = %scan3A_112 to %scan3A_114 step %scan3A_115 iter_args(%scan3A_203 = %broadcast_in_dim3A_109, %scan3A_204 = %broadcast_in_dim3A_111) -> (vector<16xi32>, vector<16xi32>)  : i32 {
          %sub3A_205 = arith.subi %scan3A_204, %scan3A_203 : vector<16xi32>
          %shift_right_arithmetic3A = arith.constant 1 : i32
          %shift_right_arithmetic3A_206 = vector.broadcast %shift_right_arithmetic3A : i32 to vector<16xi32>
          %shift_right_arithmetic3A_207 = arith.shrsi %sub3A_205, %shift_right_arithmetic3A_206 : vector<16xi32>
          %add3A_208 = arith.addi %scan3A_203, %shift_right_arithmetic3A_207 : vector<16xi32>
          %scan3A_209 = arith.constant 0 : i32
          %scan3A_210 = arith.constant 512 : i32
          %scan3A_211 = arith.addi %scan3A_209, %scan3A_210 : i32
          %scan3A_212 = arith.constant 1 : i32
          %scan3A_213 = scf.for %scan3A_277 = %scan3A_209 to %scan3A_211 step %scan3A_212 iter_args(%scan3A_278 = %broadcast_in_dim3A_22) -> (vector<16xi32>)  : i32 {
            %mul3A_279 = arith.constant 16 : i32
            %mul3A_280 = arith.muli %scan3A_277, %mul3A_279 : i32
            %get3A_281 = arith.index_cast %mul3A_280 : i32 to index
            %get3A_282 = tpu.vector_load %arg5[%get3A_281] {strides = array<i32>} : memref<8192xf32, #tpu.memory_space<vmem>>, vector<16xf32>,
            %get3A_283 = vector.shape_cast %get3A_282 : vector<16xf32> to vector<16xf32>
            %gt3A_284 = arith.constant 0.000000e+00 : f32
            %gt3A_285 = vector.broadcast %gt3A_284 : f32 to vector<16xf32>
            %gt3A_286 = arith.cmpf ogt, %get3A_283, %gt3A_285 : vector<16xf32>
            %get3A_287 = arith.index_cast %mul3A_280 : i32 to index
            %get3A_288 = tpu.vector_load %arg6[%get3A_287] {strides = array<i32>} : memref<8192xi32, #tpu.memory_space<vmem>>, vector<16xi32>,
            %get3A_289 = vector.shape_cast %get3A_288 : vector<16xi32> to vector<16xi32>
            %jit3A_290 = arith.constant 2139095040 : i32
            %broadcast_in_dim3A_291 = vector.broadcast %jit3A_290 : i32 to vector<16xi32>
            %select_n3A_292 = arith.select %gt3A_286, %get3A_289, %broadcast_in_dim3A_291 : vector<16xi1>, vector<16xi32>
            %le3A = arith.cmpi sle, %select_n3A_292, %add3A_208 : vector<16xi32>
            %select_n3A_293 = arith.select %le3A, %broadcast_in_dim3A_20, %broadcast_in_dim3A_22 : vector<16xi1>, vector<16xi32>
            %add3A_294 = arith.addi %scan3A_278, %select_n3A_293 : vector<16xi32>
            scf.yield %add3A_294 : vector<16xi32>
          }
          %scan3A_214 = arith.constant 512 : i32
          %swap3A_215 = arith.constant 0 : index
          %swap3A_216 = tpu.vector_load %arg8[%swap3A_215] {strides = array<i32>} : memref<32xi32, #tpu.memory_space<vmem>>, vector<16xi32>,
          %swap3A_217 = vector.shape_cast %swap3A_216 : vector<16xi32> to vector<16xi32>
          %swap3A_218 = vector.shape_cast %scan3A_213 : vector<16xi32> to vector<16xi32>
          tpu.vector_store %arg8[%swap3A_215], %swap3A_218 {strides = array<i32>} : memref<32xi32, #tpu.memory_space<vmem>>, vector<16xi32>,
          %swap3A_219 = arith.constant 16 : index
          %swap3A_220 = tpu.vector_load %arg8[%swap3A_219] {strides = array<i32>} : memref<32xi32, #tpu.memory_space<vmem>>, vector<16xi32>,
          %swap3A_221 = vector.shape_cast %swap3A_220 : vector<16xi32> to vector<16xi32>
          %swap3A_222 = vector.shape_cast %scan3A_213 : vector<16xi32> to vector<16xi32>
          tpu.vector_store %arg8[%swap3A_219], %swap3A_222 {strides = array<i32>} : memref<32xi32, #tpu.memory_space<vmem>>, vector<16xi32>,
          %get3A_223 = arith.constant 0 : index
          %get3A_224 = tpu.vector_load %arg8[%get3A_223] {strides = array<i32>} : memref<32xi32, #tpu.memory_space<vmem>>, vector<16xi32>,
          %get3A_225 = vector.shape_cast %get3A_224 : vector<16xi32> to vector<16xi32>
          %get3A_226 = arith.constant 8 : index
          %get3A_227 = tpu.vector_load %arg8[%get3A_226] {strides = array<i32>} : memref<32xi32, #tpu.memory_space<vmem>>, vector<16xi32>,
          %get3A_228 = vector.shape_cast %get3A_227 : vector<16xi32> to vector<16xi32>
          %add3A_229 = arith.addi %get3A_225, %get3A_228 : vector<16xi32>
          %swap3A_230 = arith.constant 0 : index
          %swap3A_231 = tpu.vector_load %arg8[%swap3A_230] {strides = array<i32>} : memref<32xi32, #tpu.memory_space<vmem>>, vector<16xi32>,
          %swap3A_232 = vector.shape_cast %swap3A_231 : vector<16xi32> to vector<16xi32>
          %swap3A_233 = vector.shape_cast %add3A_229 : vector<16xi32> to vector<16xi32>
          tpu.vector_store %arg8[%swap3A_230], %swap3A_233 {strides = array<i32>} : memref<32xi32, #tpu.memory_space<vmem>>, vector<16xi32>,
          %swap3A_234 = arith.constant 16 : index
          %swap3A_235 = tpu.vector_load %arg8[%swap3A_234] {strides = array<i32>} : memref<32xi32, #tpu.memory_space<vmem>>, vector<16xi32>,
          %swap3A_236 = vector.shape_cast %swap3A_235 : vector<16xi32> to vector<16xi32>
          %swap3A_237 = vector.shape_cast %add3A_229 : vector<16xi32> to vector<16xi32>
          tpu.vector_store %arg8[%swap3A_234], %swap3A_237 {strides = array<i32>} : memref<32xi32, #tpu.memory_space<vmem>>, vector<16xi32>,
          %get3A_238 = arith.constant 0 : index
          %get3A_239 = tpu.vector_load %arg8[%get3A_238] {strides = array<i32>} : memref<32xi32, #tpu.memory_space<vmem>>, vector<16xi32>,
          %get3A_240 = vector.shape_cast %get3A_239 : vector<16xi32> to vector<16xi32>
          %get3A_241 = arith.constant 4 : index
          %get3A_242 = tpu.vector_load %arg8[%get3A_241] {strides = array<i32>} : memref<32xi32, #tpu.memory_space<vmem>>, vector<16xi32>,
          %get3A_243 = vector.shape_cast %get3A_242 : vector<16xi32> to vector<16xi32>
          %add3A_244 = arith.addi %get3A_240, %get3A_243 : vector<16xi32>
          %swap3A_245 = arith.constant 0 : index
          %swap3A_246 = tpu.vector_load %arg8[%swap3A_245] {strides = array<i32>} : memref<32xi32, #tpu.memory_space<vmem>>, vector<16xi32>,
          %swap3A_247 = vector.shape_cast %swap3A_246 : vector<16xi32> to vector<16xi32>
          %swap3A_248 = vector.shape_cast %add3A_244 : vector<16xi32> to vector<16xi32>
          tpu.vector_store %arg8[%swap3A_245], %swap3A_248 {strides = array<i32>} : memref<32xi32, #tpu.memory_space<vmem>>, vector<16xi32>,
          %swap3A_249 = arith.constant 16 : index
          %swap3A_250 = tpu.vector_load %arg8[%swap3A_249] {strides = array<i32>} : memref<32xi32, #tpu.memory_space<vmem>>, vector<16xi32>,
          %swap3A_251 = vector.shape_cast %swap3A_250 : vector<16xi32> to vector<16xi32>
          %swap3A_252 = vector.shape_cast %add3A_244 : vector<16xi32> to vector<16xi32>
          tpu.vector_store %arg8[%swap3A_249], %swap3A_252 {strides = array<i32>} : memref<32xi32, #tpu.memory_space<vmem>>, vector<16xi32>,
          %get3A_253 = arith.constant 0 : index
          %get3A_254 = tpu.vector_load %arg8[%get3A_253] {strides = array<i32>} : memref<32xi32, #tpu.memory_space<vmem>>, vector<16xi32>,
          %get3A_255 = vector.shape_cast %get3A_254 : vector<16xi32> to vector<16xi32>
          %get3A_256 = arith.constant 2 : index
          %get3A_257 = tpu.vector_load %arg8[%get3A_256] {strides = array<i32>} : memref<32xi32, #tpu.memory_space<vmem>>, vector<16xi32>,
          %get3A_258 = vector.shape_cast %get3A_257 : vector<16xi32> to vector<16xi32>
          %add3A_259 = arith.addi %get3A_255, %get3A_258 : vector<16xi32>
          %swap3A_260 = arith.constant 0 : index
          %swap3A_261 = tpu.vector_load %arg8[%swap3A_260] {strides = array<i32>} : memref<32xi32, #tpu.memory_space<vmem>>, vector<16xi32>,
          %swap3A_262 = vector.shape_cast %swap3A_261 : vector<16xi32> to vector<16xi32>
          %swap3A_263 = vector.shape_cast %add3A_259 : vector<16xi32> to vector<16xi32>
          tpu.vector_store %arg8[%swap3A_260], %swap3A_263 {strides = array<i32>} : memref<32xi32, #tpu.memory_space<vmem>>, vector<16xi32>,
          %swap3A_264 = arith.constant 16 : index
          %swap3A_265 = tpu.vector_load %arg8[%swap3A_264] {strides = array<i32>} : memref<32xi32, #tpu.memory_space<vmem>>, vector<16xi32>,
          %swap3A_266 = vector.shape_cast %swap3A_265 : vector<16xi32> to vector<16xi32>
          %swap3A_267 = vector.shape_cast %add3A_259 : vector<16xi32> to vector<16xi32>
          tpu.vector_store %arg8[%swap3A_264], %swap3A_267 {strides = array<i32>} : memref<32xi32, #tpu.memory_space<vmem>>, vector<16xi32>,
          %get3A_268 = arith.constant 0 : index
          %get3A_269 = tpu.vector_load %arg8[%get3A_268] {strides = array<i32>} : memref<32xi32, #tpu.memory_space<vmem>>, vector<16xi32>,
          %get3A_270 = vector.shape_cast %get3A_269 : vector<16xi32> to vector<16xi32>
          %get3A_271 = arith.constant 1 : index
          %get3A_272 = tpu.vector_load %arg8[%get3A_271] {strides = array<i32>} : memref<32xi32, #tpu.memory_space<vmem>>, vector<16xi32>,
          %get3A_273 = vector.shape_cast %get3A_272 : vector<16xi32> to vector<16xi32>
          %add3A_274 = arith.addi %get3A_270, %get3A_273 : vector<16xi32>
          %ge3A = arith.cmpi sge, %add3A_274, %sub3A_103 : vector<16xi32>
          %select_n3A_275 = arith.select %ge3A, %scan3A_203, %add3A_208 : vector<16xi1>, vector<16xi32>
          %select_n3A_276 = arith.select %ge3A, %add3A_208, %scan3A_204 : vector<16xi1>, vector<16xi32>
          scf.yield %select_n3A_275, %select_n3A_276 : vector<16xi32>, vector<16xi32>
        }
        %scan3A_117 = arith.constant 32 : i32
        %sub3A_118 = arith.subi %scan3A_116#1, %broadcast_in_dim3A_20 : vector<16xi32>
        %scan3A_119 = arith.constant 0 : i32
        %scan3A_120 = arith.constant 512 : i32
        %scan3A_121 = arith.addi %scan3A_119, %scan3A_120 : i32
        %scan3A_122 = arith.constant 1 : i32
        %scan3A_123 = scf.for %scan3A_202 = %scan3A_119 to %scan3A_121 step %scan3A_122 iter_args(%scan3A_203 = %broadcast_in_dim3A_22) -> (vector<16xi32>)  : i32 {
          %mul3A_204 = arith.constant 16 : i32
          %mul3A_205 = arith.muli %scan3A_202, %mul3A_204 : i32
          %get3A_206 = arith.index_cast %mul3A_205 : i32 to index
          %get3A_207 = tpu.vector_load %arg5[%get3A_206] {strides = array<i32>} : memref<8192xf32, #tpu.memory_space<vmem>>, vector<16xf32>,
          %get3A_208 = vector.shape_cast %get3A_207 : vector<16xf32> to vector<16xf32>
          %gt3A_209 = arith.constant 0.000000e+00 : f32
          %gt3A_210 = vector.broadcast %gt3A_209 : f32 to vector<16xf32>
          %gt3A_211 = arith.cmpf ogt, %get3A_208, %gt3A_210 : vector<16xf32>
          %get3A_212 = arith.index_cast %mul3A_205 : i32 to index
          %get3A_213 = tpu.vector_load %arg6[%get3A_212] {strides = array<i32>} : memref<8192xi32, #tpu.memory_space<vmem>>, vector<16xi32>,
          %get3A_214 = vector.shape_cast %get3A_213 : vector<16xi32> to vector<16xi32>
          %jit3A_215 = arith.constant 2139095040 : i32
          %broadcast_in_dim3A_216 = vector.broadcast %jit3A_215 : i32 to vector<16xi32>
          %select_n3A_217 = arith.select %gt3A_211, %get3A_214, %broadcast_in_dim3A_216 : vector<16xi1>, vector<16xi32>
          %le3A = arith.cmpi sle, %select_n3A_217, %sub3A_118 : vector<16xi32>
          %select_n3A_218 = arith.select %le3A, %broadcast_in_dim3A_20, %broadcast_in_dim3A_22 : vector<16xi1>, vector<16xi32>
          %add3A_219 = arith.addi %scan3A_203, %select_n3A_218 : vector<16xi32>
          scf.yield %add3A_219 : vector<16xi32>
        }
        %scan3A_124 = arith.constant 512 : i32
        %swap3A_125 = arith.constant 0 : index
        %swap3A_126 = tpu.vector_load %arg8[%swap3A_125] {strides = array<i32>} : memref<32xi32, #tpu.memory_space<vmem>>, vector<16xi32>,
        %swap3A_127 = vector.shape_cast %swap3A_126 : vector<16xi32> to vector<16xi32>
        %swap3A_128 = vector.shape_cast %scan3A_123 : vector<16xi32> to vector<16xi32>
        tpu.vector_store %arg8[%swap3A_125], %swap3A_128 {strides = array<i32>} : memref<32xi32, #tpu.memory_space<vmem>>, vector<16xi32>,
        %swap3A_129 = arith.constant 16 : index
        %swap3A_130 = tpu.vector_load %arg8[%swap3A_129] {strides = array<i32>} : memref<32xi32, #tpu.memory_space<vmem>>, vector<16xi32>,
        %swap3A_131 = vector.shape_cast %swap3A_130 : vector<16xi32> to vector<16xi32>
        %swap3A_132 = vector.shape_cast %scan3A_123 : vector<16xi32> to vector<16xi32>
        tpu.vector_store %arg8[%swap3A_129], %swap3A_132 {strides = array<i32>} : memref<32xi32, #tpu.memory_space<vmem>>, vector<16xi32>,
        %get3A_133 = arith.constant 0 : index
        %get3A_134 = tpu.vector_load %arg8[%get3A_133] {strides = array<i32>} : memref<32xi32, #tpu.memory_space<vmem>>, vector<16xi32>,
        %get3A_135 = vector.shape_cast %get3A_134 : vector<16xi32> to vector<16xi32>
        %get3A_136 = arith.constant 8 : index
        %get3A_137 = tpu.vector_load %arg8[%get3A_136] {strides = array<i32>} : memref<32xi32, #tpu.memory_space<vmem>>, vector<16xi32>,
        %get3A_138 = vector.shape_cast %get3A_137 : vector<16xi32> to vector<16xi32>
        %add3A_139 = arith.addi %get3A_135, %get3A_138 : vector<16xi32>
        %swap3A_140 = arith.constant 0 : index
        %swap3A_141 = tpu.vector_load %arg8[%swap3A_140] {strides = array<i32>} : memref<32xi32, #tpu.memory_space<vmem>>, vector<16xi32>,
        %swap3A_142 = vector.shape_cast %swap3A_141 : vector<16xi32> to vector<16xi32>
        %swap3A_143 = vector.shape_cast %add3A_139 : vector<16xi32> to vector<16xi32>
        tpu.vector_store %arg8[%swap3A_140], %swap3A_143 {strides = array<i32>} : memref<32xi32, #tpu.memory_space<vmem>>, vector<16xi32>,
        %swap3A_144 = arith.constant 16 : index
        %swap3A_145 = tpu.vector_load %arg8[%swap3A_144] {strides = array<i32>} : memref<32xi32, #tpu.memory_space<vmem>>, vector<16xi32>,
        %swap3A_146 = vector.shape_cast %swap3A_145 : vector<16xi32> to vector<16xi32>
        %swap3A_147 = vector.shape_cast %add3A_139 : vector<16xi32> to vector<16xi32>
        tpu.vector_store %arg8[%swap3A_144], %swap3A_147 {strides = array<i32>} : memref<32xi32, #tpu.memory_space<vmem>>, vector<16xi32>,
        %get3A_148 = arith.constant 0 : index
        %get3A_149 = tpu.vector_load %arg8[%get3A_148] {strides = array<i32>} : memref<32xi32, #tpu.memory_space<vmem>>, vector<16xi32>,
        %get3A_150 = vector.shape_cast %get3A_149 : vector<16xi32> to vector<16xi32>
        %get3A_151 = arith.constant 4 : index
        %get3A_152 = tpu.vector_load %arg8[%get3A_151] {strides = array<i32>} : memref<32xi32, #tpu.memory_space<vmem>>, vector<16xi32>,
        %get3A_153 = vector.shape_cast %get3A_152 : vector<16xi32> to vector<16xi32>
        %add3A_154 = arith.addi %get3A_150, %get3A_153 : vector<16xi32>
        %swap3A_155 = arith.constant 0 : index
        %swap3A_156 = tpu.vector_load %arg8[%swap3A_155] {strides = array<i32>} : memref<32xi32, #tpu.memory_space<vmem>>, vector<16xi32>,
        %swap3A_157 = vector.shape_cast %swap3A_156 : vector<16xi32> to vector<16xi32>
        %swap3A_158 = vector.shape_cast %add3A_154 : vector<16xi32> to vector<16xi32>
        tpu.vector_store %arg8[%swap3A_155], %swap3A_158 {strides = array<i32>} : memref<32xi32, #tpu.memory_space<vmem>>, vector<16xi32>,
        %swap3A_159 = arith.constant 16 : index
        %swap3A_160 = tpu.vector_load %arg8[%swap3A_159] {strides = array<i32>} : memref<32xi32, #tpu.memory_space<vmem>>, vector<16xi32>,
        %swap3A_161 = vector.shape_cast %swap3A_160 : vector<16xi32> to vector<16xi32>
        %swap3A_162 = vector.shape_cast %add3A_154 : vector<16xi32> to vector<16xi32>
        tpu.vector_store %arg8[%swap3A_159], %swap3A_162 {strides = array<i32>} : memref<32xi32, #tpu.memory_space<vmem>>, vector<16xi32>,
        %get3A_163 = arith.constant 0 : index
        %get3A_164 = tpu.vector_load %arg8[%get3A_163] {strides = array<i32>} : memref<32xi32, #tpu.memory_space<vmem>>, vector<16xi32>,
        %get3A_165 = vector.shape_cast %get3A_164 : vector<16xi32> to vector<16xi32>
        %get3A_166 = arith.constant 2 : index
        %get3A_167 = tpu.vector_load %arg8[%get3A_166] {strides = array<i32>} : memref<32xi32, #tpu.memory_space<vmem>>, vector<16xi32>,
        %get3A_168 = vector.shape_cast %get3A_167 : vector<16xi32> to vector<16xi32>
        %add3A_169 = arith.addi %get3A_165, %get3A_168 : vector<16xi32>
        %swap3A_170 = arith.constant 0 : index
        %swap3A_171 = tpu.vector_load %arg8[%swap3A_170] {strides = array<i32>} : memref<32xi32, #tpu.memory_space<vmem>>, vector<16xi32>,
        %swap3A_172 = vector.shape_cast %swap3A_171 : vector<16xi32> to vector<16xi32>
        %swap3A_173 = vector.shape_cast %add3A_169 : vector<16xi32> to vector<16xi32>
        tpu.vector_store %arg8[%swap3A_170], %swap3A_173 {strides = array<i32>} : memref<32xi32, #tpu.memory_space<vmem>>, vector<16xi32>,
        %swap3A_174 = arith.constant 16 : index
        %swap3A_175 = tpu.vector_load %arg8[%swap3A_174] {strides = array<i32>} : memref<32xi32, #tpu.memory_space<vmem>>, vector<16xi32>,
        %swap3A_176 = vector.shape_cast %swap3A_175 : vector<16xi32> to vector<16xi32>
        %swap3A_177 = vector.shape_cast %add3A_169 : vector<16xi32> to vector<16xi32>
        tpu.vector_store %arg8[%swap3A_174], %swap3A_177 {strides = array<i32>} : memref<32xi32, #tpu.memory_space<vmem>>, vector<16xi32>,
        %get3A_178 = arith.constant 0 : index
        %get3A_179 = tpu.vector_load %arg8[%get3A_178] {strides = array<i32>} : memref<32xi32, #tpu.memory_space<vmem>>, vector<16xi32>,
        %get3A_180 = vector.shape_cast %get3A_179 : vector<16xi32> to vector<16xi32>
        %get3A_181 = arith.constant 1 : index
        %get3A_182 = tpu.vector_load %arg8[%get3A_181] {strides = array<i32>} : memref<32xi32, #tpu.memory_space<vmem>>, vector<16xi32>,
        %get3A_183 = vector.shape_cast %get3A_182 : vector<16xi32> to vector<16xi32>
        %add3A_184 = arith.addi %get3A_180, %get3A_183 : vector<16xi32>
        %sub3A_185 = arith.subi %sub3A_103, %add3A_184 : vector<16xi32>
        %broadcast_in_dim3A_186 = arith.constant -1 : i32
        %broadcast_in_dim3A_187 = vector.broadcast %broadcast_in_dim3A_186 : i32 to vector<16xi32>
        %broadcast_in_dim3A_188 = arith.constant 8191 : i32
        %broadcast_in_dim3A_189 = vector.broadcast %broadcast_in_dim3A_188 : i32 to vector<16xi32>
        %scan3A_190 = arith.constant 0 : i32
        %scan3A_191 = arith.constant 14 : i32
        %scan3A_192 = arith.addi %scan3A_190, %scan3A_191 : i32
        %scan3A_193 = arith.constant 1 : i32
        %scan3A_194:2 = scf.for %scan3A_202 = %scan3A_190 to %scan3A_192 step %scan3A_193 iter_args(%scan3A_203 = %broadcast_in_dim3A_187, %scan3A_204 = %broadcast_in_dim3A_189) -> (vector<16xi32>, vector<16xi32>)  : i32 {
          %sub3A_205 = arith.subi %scan3A_204, %scan3A_203 : vector<16xi32>
          %shift_right_arithmetic3A = arith.constant 1 : i32
          %shift_right_arithmetic3A_206 = vector.broadcast %shift_right_arithmetic3A : i32 to vector<16xi32>
          %shift_right_arithmetic3A_207 = arith.shrsi %sub3A_205, %shift_right_arithmetic3A_206 : vector<16xi32>
          %add3A_208 = arith.addi %scan3A_203, %shift_right_arithmetic3A_207 : vector<16xi32>
          %iota3A_209 = tpu.iota {dimensions = array<i32: 0>} : vector<16xi32>
          %scan3A_210 = arith.constant 0 : i32
          %scan3A_211 = arith.constant 512 : i32
          %scan3A_212 = arith.addi %scan3A_210, %scan3A_211 : i32
          %scan3A_213 = arith.constant 1 : i32
          %scan3A_214:2 = scf.for %scan3A_278 = %scan3A_210 to %scan3A_212 step %scan3A_213 iter_args(%scan3A_279 = %broadcast_in_dim3A_22, %scan3A_280 = %iota3A_209) -> (vector<16xi32>, vector<16xi32>)  : i32 {
            %mul3A_281 = arith.constant 16 : i32
            %mul3A_282 = arith.muli %scan3A_278, %mul3A_281 : i32
            %get3A_283 = arith.index_cast %mul3A_282 : i32 to index
            %get3A_284 = tpu.vector_load %arg5[%get3A_283] {strides = array<i32>} : memref<8192xf32, #tpu.memory_space<vmem>>, vector<16xf32>,
            %get3A_285 = vector.shape_cast %get3A_284 : vector<16xf32> to vector<16xf32>
            %gt3A_286 = arith.constant 0.000000e+00 : f32
            %gt3A_287 = vector.broadcast %gt3A_286 : f32 to vector<16xf32>
            %gt3A_288 = arith.cmpf ogt, %get3A_285, %gt3A_287 : vector<16xf32>
            %get3A_289 = arith.index_cast %mul3A_282 : i32 to index
            %get3A_290 = tpu.vector_load %arg6[%get3A_289] {strides = array<i32>} : memref<8192xi32, #tpu.memory_space<vmem>>, vector<16xi32>,
            %get3A_291 = vector.shape_cast %get3A_290 : vector<16xi32> to vector<16xi32>
            %jit3A_292 = arith.constant 2139095040 : i32
            %broadcast_in_dim3A_293 = vector.broadcast %jit3A_292 : i32 to vector<16xi32>
            %select_n3A_294 = arith.select %gt3A_288, %get3A_291, %broadcast_in_dim3A_293 : vector<16xi1>, vector<16xi32>
            %eq3A_295 = arith.cmpi eq, %select_n3A_294, %scan3A_116#1 : vector<16xi32>
            %select_n3A_296 = arith.select %eq3A_295, %broadcast_in_dim3A_20, %broadcast_in_dim3A_22 : vector<16xi1>, vector<16xi32>
            %le3A = arith.cmpi sle, %scan3A_280, %add3A_208 : vector<16xi32>
            %select_n3A_297 = arith.select %le3A, %broadcast_in_dim3A_20, %broadcast_in_dim3A_22 : vector<16xi1>, vector<16xi32>
            %mul3A_298 = arith.muli %select_n3A_296, %select_n3A_297 : vector<16xi32>
            %add3A_299 = arith.addi %scan3A_279, %mul3A_298 : vector<16xi32>
            %add3A_300 = arith.constant 16 : i32
            %add3A_301 = vector.broadcast %add3A_300 : i32 to vector<16xi32>
            %add3A_302 = arith.addi %scan3A_280, %add3A_301 : vector<16xi32>
            scf.yield %add3A_299, %add3A_302 : vector<16xi32>, vector<16xi32>
          }
          %scan3A_215 = arith.constant 512 : i32
          %swap3A_216 = arith.constant 0 : index
          %swap3A_217 = tpu.vector_load %arg8[%swap3A_216] {strides = array<i32>} : memref<32xi32, #tpu.memory_space<vmem>>, vector<16xi32>,
          %swap3A_218 = vector.shape_cast %swap3A_217 : vector<16xi32> to vector<16xi32>
          %swap3A_219 = vector.shape_cast %scan3A_214#0 : vector<16xi32> to vector<16xi32>
          tpu.vector_store %arg8[%swap3A_216], %swap3A_219 {strides = array<i32>} : memref<32xi32, #tpu.memory_space<vmem>>, vector<16xi32>,
          %swap3A_220 = arith.constant 16 : index
          %swap3A_221 = tpu.vector_load %arg8[%swap3A_220] {strides = array<i32>} : memref<32xi32, #tpu.memory_space<vmem>>, vector<16xi32>,
          %swap3A_222 = vector.shape_cast %swap3A_221 : vector<16xi32> to vector<16xi32>
          %swap3A_223 = vector.shape_cast %scan3A_214#0 : vector<16xi32> to vector<16xi32>
          tpu.vector_store %arg8[%swap3A_220], %swap3A_223 {strides = array<i32>} : memref<32xi32, #tpu.memory_space<vmem>>, vector<16xi32>,
          %get3A_224 = arith.constant 0 : index
          %get3A_225 = tpu.vector_load %arg8[%get3A_224] {strides = array<i32>} : memref<32xi32, #tpu.memory_space<vmem>>, vector<16xi32>,
          %get3A_226 = vector.shape_cast %get3A_225 : vector<16xi32> to vector<16xi32>
          %get3A_227 = arith.constant 8 : index
          %get3A_228 = tpu.vector_load %arg8[%get3A_227] {strides = array<i32>} : memref<32xi32, #tpu.memory_space<vmem>>, vector<16xi32>,
          %get3A_229 = vector.shape_cast %get3A_228 : vector<16xi32> to vector<16xi32>
          %add3A_230 = arith.addi %get3A_226, %get3A_229 : vector<16xi32>
          %swap3A_231 = arith.constant 0 : index
          %swap3A_232 = tpu.vector_load %arg8[%swap3A_231] {strides = array<i32>} : memref<32xi32, #tpu.memory_space<vmem>>, vector<16xi32>,
          %swap3A_233 = vector.shape_cast %swap3A_232 : vector<16xi32> to vector<16xi32>
          %swap3A_234 = vector.shape_cast %add3A_230 : vector<16xi32> to vector<16xi32>
          tpu.vector_store %arg8[%swap3A_231], %swap3A_234 {strides = array<i32>} : memref<32xi32, #tpu.memory_space<vmem>>, vector<16xi32>,
          %swap3A_235 = arith.constant 16 : index
          %swap3A_236 = tpu.vector_load %arg8[%swap3A_235] {strides = array<i32>} : memref<32xi32, #tpu.memory_space<vmem>>, vector<16xi32>,
          %swap3A_237 = vector.shape_cast %swap3A_236 : vector<16xi32> to vector<16xi32>
          %swap3A_238 = vector.shape_cast %add3A_230 : vector<16xi32> to vector<16xi32>
          tpu.vector_store %arg8[%swap3A_235], %swap3A_238 {strides = array<i32>} : memref<32xi32, #tpu.memory_space<vmem>>, vector<16xi32>,
          %get3A_239 = arith.constant 0 : index
          %get3A_240 = tpu.vector_load %arg8[%get3A_239] {strides = array<i32>} : memref<32xi32, #tpu.memory_space<vmem>>, vector<16xi32>,
          %get3A_241 = vector.shape_cast %get3A_240 : vector<16xi32> to vector<16xi32>
          %get3A_242 = arith.constant 4 : index
          %get3A_243 = tpu.vector_load %arg8[%get3A_242] {strides = array<i32>} : memref<32xi32, #tpu.memory_space<vmem>>, vector<16xi32>,
          %get3A_244 = vector.shape_cast %get3A_243 : vector<16xi32> to vector<16xi32>
          %add3A_245 = arith.addi %get3A_241, %get3A_244 : vector<16xi32>
          %swap3A_246 = arith.constant 0 : index
          %swap3A_247 = tpu.vector_load %arg8[%swap3A_246] {strides = array<i32>} : memref<32xi32, #tpu.memory_space<vmem>>, vector<16xi32>,
          %swap3A_248 = vector.shape_cast %swap3A_247 : vector<16xi32> to vector<16xi32>
          %swap3A_249 = vector.shape_cast %add3A_245 : vector<16xi32> to vector<16xi32>
          tpu.vector_store %arg8[%swap3A_246], %swap3A_249 {strides = array<i32>} : memref<32xi32, #tpu.memory_space<vmem>>, vector<16xi32>,
          %swap3A_250 = arith.constant 16 : index
          %swap3A_251 = tpu.vector_load %arg8[%swap3A_250] {strides = array<i32>} : memref<32xi32, #tpu.memory_space<vmem>>, vector<16xi32>,
          %swap3A_252 = vector.shape_cast %swap3A_251 : vector<16xi32> to vector<16xi32>
          %swap3A_253 = vector.shape_cast %add3A_245 : vector<16xi32> to vector<16xi32>
          tpu.vector_store %arg8[%swap3A_250], %swap3A_253 {strides = array<i32>} : memref<32xi32, #tpu.memory_space<vmem>>, vector<16xi32>,
          %get3A_254 = arith.constant 0 : index
          %get3A_255 = tpu.vector_load %arg8[%get3A_254] {strides = array<i32>} : memref<32xi32, #tpu.memory_space<vmem>>, vector<16xi32>,
          %get3A_256 = vector.shape_cast %get3A_255 : vector<16xi32> to vector<16xi32>
          %get3A_257 = arith.constant 2 : index
          %get3A_258 = tpu.vector_load %arg8[%get3A_257] {strides = array<i32>} : memref<32xi32, #tpu.memory_space<vmem>>, vector<16xi32>,
          %get3A_259 = vector.shape_cast %get3A_258 : vector<16xi32> to vector<16xi32>
          %add3A_260 = arith.addi %get3A_256, %get3A_259 : vector<16xi32>
          %swap3A_261 = arith.constant 0 : index
          %swap3A_262 = tpu.vector_load %arg8[%swap3A_261] {strides = array<i32>} : memref<32xi32, #tpu.memory_space<vmem>>, vector<16xi32>,
          %swap3A_263 = vector.shape_cast %swap3A_262 : vector<16xi32> to vector<16xi32>
          %swap3A_264 = vector.shape_cast %add3A_260 : vector<16xi32> to vector<16xi32>
          tpu.vector_store %arg8[%swap3A_261], %swap3A_264 {strides = array<i32>} : memref<32xi32, #tpu.memory_space<vmem>>, vector<16xi32>,
          %swap3A_265 = arith.constant 16 : index
          %swap3A_266 = tpu.vector_load %arg8[%swap3A_265] {strides = array<i32>} : memref<32xi32, #tpu.memory_space<vmem>>, vector<16xi32>,
          %swap3A_267 = vector.shape_cast %swap3A_266 : vector<16xi32> to vector<16xi32>
          %swap3A_268 = vector.shape_cast %add3A_260 : vector<16xi32> to vector<16xi32>
          tpu.vector_store %arg8[%swap3A_265], %swap3A_268 {strides = array<i32>} : memref<32xi32, #tpu.memory_space<vmem>>, vector<16xi32>,
          %get3A_269 = arith.constant 0 : index
          %get3A_270 = tpu.vector_load %arg8[%get3A_269] {strides = array<i32>} : memref<32xi32, #tpu.memory_space<vmem>>, vector<16xi32>,
          %get3A_271 = vector.shape_cast %get3A_270 : vector<16xi32> to vector<16xi32>
          %get3A_272 = arith.constant 1 : index
          %get3A_273 = tpu.vector_load %arg8[%get3A_272] {strides = array<i32>} : memref<32xi32, #tpu.memory_space<vmem>>, vector<16xi32>,
          %get3A_274 = vector.shape_cast %get3A_273 : vector<16xi32> to vector<16xi32>
          %add3A_275 = arith.addi %get3A_271, %get3A_274 : vector<16xi32>
          %ge3A = arith.cmpi sge, %add3A_275, %sub3A_185 : vector<16xi32>
          %select_n3A_276 = arith.select %ge3A, %scan3A_203, %add3A_208 : vector<16xi1>, vector<16xi32>
          %select_n3A_277 = arith.select %ge3A, %add3A_208, %scan3A_204 : vector<16xi1>, vector<16xi32>
          scf.yield %select_n3A_276, %select_n3A_277 : vector<16xi32>, vector<16xi32>
        }
        %scan3A_195 = arith.constant 14 : i32
        %iota3A = tpu.iota {dimensions = array<i32: 0>} : vector<16xi32>
        %scan3A_196 = arith.constant 0 : i32
        %scan3A_197 = arith.constant 512 : i32
        %scan3A_198 = arith.addi %scan3A_196, %scan3A_197 : i32
        %scan3A_199 = arith.constant 1 : i32
        %scan3A_200 = scf.for %scan3A_202 = %scan3A_196 to %scan3A_198 step %scan3A_199 iter_args(%scan3A_203 = %iota3A) -> (vector<16xi32>)  : i32 {
          %mul3A_204 = arith.constant 16 : i32
          %mul3A_205 = arith.muli %scan3A_202, %mul3A_204 : i32
          %get3A_206 = arith.index_cast %mul3A_205 : i32 to index
          %get3A_207 = tpu.vector_load %arg5[%get3A_206] {strides = array<i32>} : memref<8192xf32, #tpu.memory_space<vmem>>, vector<16xf32>,
          %get3A_208 = vector.shape_cast %get3A_207 : vector<16xf32> to vector<16xf32>
          %gt3A_209 = arith.constant 0.000000e+00 : f32
          %gt3A_210 = vector.broadcast %gt3A_209 : f32 to vector<16xf32>
          %gt3A_211 = arith.cmpf ogt, %get3A_208, %gt3A_210 : vector<16xf32>
          %get3A_212 = arith.index_cast %mul3A_205 : i32 to index
          %get3A_213 = tpu.vector_load %arg6[%get3A_212] {strides = array<i32>} : memref<8192xi32, #tpu.memory_space<vmem>>, vector<16xi32>,
          %get3A_214 = vector.shape_cast %get3A_213 : vector<16xi32> to vector<16xi32>
          %jit3A_215 = arith.constant 2139095040 : i32
          %broadcast_in_dim3A_216 = vector.broadcast %jit3A_215 : i32 to vector<16xi32>
          %select_n3A_217 = arith.select %gt3A_211, %get3A_214, %broadcast_in_dim3A_216 : vector<16xi1>, vector<16xi32>
          %lt3A = arith.cmpi slt, %select_n3A_217, %scan3A_116#1 : vector<16xi32>
          %select_n3A_218 = arith.select %lt3A, %broadcast_in_dim3A_20, %broadcast_in_dim3A_22 : vector<16xi1>, vector<16xi32>
          %eq3A_219 = arith.cmpi eq, %select_n3A_217, %scan3A_116#1 : vector<16xi32>
          %select_n3A_220 = arith.select %eq3A_219, %broadcast_in_dim3A_20, %broadcast_in_dim3A_22 : vector<16xi1>, vector<16xi32>
          %le3A = arith.cmpi sle, %scan3A_203, %scan3A_194#1 : vector<16xi32>
          %select_n3A_221 = arith.select %le3A, %broadcast_in_dim3A_20, %broadcast_in_dim3A_22 : vector<16xi1>, vector<16xi32>
          %mul3A_222 = arith.muli %select_n3A_220, %select_n3A_221 : vector<16xi32>
          %add3A_223 = arith.addi %select_n3A_218, %mul3A_222 : vector<16xi32>
          %gt3A_224 = arith.constant 0.000000e+00 : f32
          %gt3A_225 = vector.broadcast %gt3A_224 : f32 to vector<16xf32>
          %gt3A_226 = arith.cmpf ogt, %get3A_208, %gt3A_225 : vector<16xf32>
          %sub3A_227 = arith.subi %broadcast_in_dim3A_20, %add3A_223 : vector<16xi32>
          %select_n3A_228 = arith.select %gt3A_226, %sub3A_227, %broadcast_in_dim3A_22 : vector<16xi1>, vector<16xi32>
          %mul3A_229 = arith.constant 16 : i32
          %mul3A_230 = arith.muli %scan3A_202, %mul3A_229 : i32
          %swap3A_231 = arith.index_cast %mul3A_230 : i32 to index
          %swap3A_232 = tpu.vector_load %arg7[%swap3A_231] {strides = array<i32>} : memref<8192xi32, #tpu.memory_space<vmem>>, vector<16xi32>,
          %swap3A_233 = vector.shape_cast %swap3A_232 : vector<16xi32> to vector<16xi32>
          %swap3A_234 = vector.shape_cast %select_n3A_228 : vector<16xi32> to vector<16xi32>
          tpu.vector_store %arg7[%swap3A_231], %swap3A_234 {strides = array<i32>} : memref<8192xi32, #tpu.memory_space<vmem>>, vector<16xi32>,
          %add3A_235 = arith.constant 16 : i32
          %add3A_236 = vector.broadcast %add3A_235 : i32 to vector<16xi32>
          %add3A_237 = arith.addi %scan3A_203, %add3A_236 : vector<16xi32>
          scf.yield %add3A_237 : vector<16xi32>
        }
        %scan3A_201 = arith.constant 512 : i32
        "tpu.region"() ({
          %run_scoped3A = tpu.sem_alloc : memref<!tpu.dma_semaphore, #tpu.memory_space<semaphore_mem>>
          %dma_start3A = tpu.memref_slice %arg4[%mul3A_36] : memref<32768xi32, #tpu.memory_space<hbm>> -> memref<8192xi32, #tpu.memory_space<hbm>>
          %dma_start3A_202 = tpu.memref_slice %arg4[%mul3A_36] : memref<32768xi32, #tpu.memory_space<hbm>> -> memref<8192xi32, #tpu.memory_space<hbm>>
          tpu.enqueue_dma source(%arg7 : memref<8192xi32, #tpu.memory_space<vmem>>) target(%dma_start3A_202 : memref<8192xi32, #tpu.memory_space<hbm>>) target_semaphore(%run_scoped3A : memref<!tpu.dma_semaphore, #tpu.memory_space<semaphore_mem>>)
          %dma_wait3A = tpu.memref_slice %arg4[%mul3A_36] : memref<32768xi32, #tpu.memory_space<hbm>> -> memref<8192xi32, #tpu.memory_space<hbm>>
          %dma_wait3A_203 = tpu.memref_slice %arg4[%mul3A_36] : memref<32768xi32, #tpu.memory_space<hbm>> -> memref<8192xi32, #tpu.memory_space<hbm>>
          tpu.wait_dma2 semaphore(%run_scoped3A : memref<!tpu.dma_semaphore, #tpu.memory_space<semaphore_mem>>) src(%arg7 : memref<8192xi32, #tpu.memory_space<vmem>>) dst(%dma_wait3A_203 : memref<8192xi32, #tpu.memory_space<hbm>>)
          tpu.yield
        }) : () -> ()
      } else {
      }
    } else {
    }
    return
  }
}

module attributes {stable_mosaic.version = 14 : i64} {
  func.func @_score_body(%arg0: i32, %arg1: memref<2048x768xf32, #tpu.memory_space<vmem>>, %arg2: memref<2048x768xf32, #tpu.memory_space<vmem>>, %arg3: memref<768x128xf32, #tpu.memory_space<vmem>>, %arg4: memref<1x128xf32, #tpu.memory_space<vmem>>, %arg5: memref<1x1x768xf32, #tpu.memory_space<vmem>>, %arg6: memref<1664x128xf32, #tpu.memory_space<vmem>>, %arg7: memref<1x128xf32, #tpu.memory_space<vmem>>, %arg8: memref<128x1xf32, #tpu.memory_space<vmem>>, %arg9: memref<1x1xf32, #tpu.memory_space<vmem>>, %arg10: memref<2048x1xf32, #tpu.memory_space<vmem>>) attributes {dimension_semantics = [#tpu.dimension_semantics<parallel>], iteration_bounds = array<i64: 16>, scalar_prefetch = 0 : i64, scratch_operands = 0 : i64, tpu.core_type = #tpu.core_type<tc>, window_params = [{transform_indices = @transform_0, window_bounds = array<i64: 2048, 768>}, {transform_indices = @transform_1, window_bounds = array<i64: 2048, 768>}, {pipeline_mode = #tpu.pipeline_mode<synchronous>, transform_indices = @transform_2, window_bounds = array<i64: 768, 128>}, {pipeline_mode = #tpu.pipeline_mode<synchronous>, transform_indices = @transform_3, window_bounds = array<i64: 1, 128>}, {transform_indices = @transform_4, window_bounds = array<i64: 1, 1, 768>}, {pipeline_mode = #tpu.pipeline_mode<synchronous>, transform_indices = @transform_5, window_bounds = array<i64: 1664, 128>}, {pipeline_mode = #tpu.pipeline_mode<synchronous>, transform_indices = @transform_6, window_bounds = array<i64: 1, 128>}, {pipeline_mode = #tpu.pipeline_mode<synchronous>, transform_indices = @transform_7, window_bounds = array<i64: 128, 1>}, {pipeline_mode = #tpu.pipeline_mode<synchronous>, transform_indices = @transform_8, window_bounds = array<i64: 1, 1>}, {transform_indices = @transform_9, window_bounds = array<i64: 2048, 1>}]} {
    %get3A = arith.constant 0 : index
    %get3A_0 = arith.constant 0 : index
    %get3A_1 = vector.load %arg2[%get3A, %get3A_0] : memref<2048x768xf32, #tpu.memory_space<vmem>>, vector<2048x768xf32>
    %get3A_2 = arith.constant 0 : index
    %get3A_3 = arith.constant 0 : index
    %get3A_4 = vector.load %arg3[%get3A_2, %get3A_3] : memref<768x128xf32, #tpu.memory_space<vmem>>, vector<768x128xf32>
    %dot_general3A = arith.constant dense<0.000000e+00> : vector<2048x128xf32>
    %dot_general3A_5 = tpu.matmul %get3A_1, %get3A_4, %dot_general3A {dimension_numbers = #tpu.dot_dimension_numbers<[1], [0], [0], [1], [0, 0, 1, 1], [], []>, transpose_lhs_hint = false} : vector<2048x768xf32>, vector<768x128xf32>, vector<2048x128xf32> -> vector<2048x128xf32>
    %get3A_6 = arith.constant 0 : index
    %get3A_7 = arith.constant 0 : index
    %get3A_8 = vector.load %arg4[%get3A_6, %get3A_7] : memref<1x128xf32, #tpu.memory_space<vmem>>, vector<1x128xf32>
    %add3A = vector.broadcast %get3A_8 : vector<1x128xf32> to vector<2048x128xf32>
    %add3A_9 = arith.addf %dot_general3A_5, %add3A : vector<2048x128xf32>
    %get3A_10 = arith.constant 0 : index
    %get3A_11 = arith.constant 0 : index
    %get3A_12 = arith.constant 0 : index
    %get3A_13 = vector.load %arg5[%get3A_10, %get3A_11, %get3A_12] : memref<1x1x768xf32, #tpu.memory_space<vmem>>, vector<1x1x768xf32>
    %get3A_14 = vector.shape_cast %get3A_13 : vector<1x1x768xf32> to vector<1x768xf32>
    %broadcast_in_dim3A = vector.shape_cast %get3A_14 : vector<1x768xf32> to vector<1x768xf32>
    %broadcast_in_dim3A_15 = vector.broadcast %broadcast_in_dim3A : vector<1x768xf32> to vector<2048x768xf32>
    %get3A_16 = arith.constant 0 : index
    %get3A_17 = arith.constant 0 : index
    %get3A_18 = vector.load %arg1[%get3A_16, %get3A_17] : memref<2048x768xf32, #tpu.memory_space<vmem>>, vector<2048x768xf32>
    %concatenate3A = tpu.concatenate %get3A_18, %add3A_9, %broadcast_in_dim3A_15 in 1 : vector<2048x768xf32>, vector<2048x128xf32>, vector<2048x768xf32> -> vector<2048x1664xf32>
    %get3A_19 = arith.constant 0 : index
    %get3A_20 = arith.constant 0 : index
    %get3A_21 = vector.load %arg6[%get3A_19, %get3A_20] : memref<1664x128xf32, #tpu.memory_space<vmem>>, vector<1664x128xf32>
    %dot_general3A_22 = arith.constant dense<0.000000e+00> : vector<2048x128xf32>
    %dot_general3A_23 = tpu.matmul %concatenate3A, %get3A_21, %dot_general3A_22 {dimension_numbers = #tpu.dot_dimension_numbers<[1], [0], [0], [1], [0, 0, 1, 1], [], []>, transpose_lhs_hint = false} : vector<2048x1664xf32>, vector<1664x128xf32>, vector<2048x128xf32> -> vector<2048x128xf32>
    %get3A_24 = arith.constant 0 : index
    %get3A_25 = arith.constant 0 : index
    %get3A_26 = vector.load %arg7[%get3A_24, %get3A_25] : memref<1x128xf32, #tpu.memory_space<vmem>>, vector<1x128xf32>
    %add3A_27 = vector.broadcast %get3A_26 : vector<1x128xf32> to vector<2048x128xf32>
    %add3A_28 = arith.addf %dot_general3A_23, %add3A_27 : vector<2048x128xf32>
    %max3A = arith.constant 0.000000e+00 : f32
    %max3A_29 = vector.broadcast %max3A : f32 to vector<2048x128xf32>
    %max3A_30 = arith.maximumf %add3A_28, %max3A_29 : vector<2048x128xf32>
    %get3A_31 = arith.constant 0 : index
    %get3A_32 = arith.constant 0 : index
    %get3A_33 = vector.load %arg8[%get3A_31, %get3A_32] : memref<128x1xf32, #tpu.memory_space<vmem>>, vector<128x1xf32>
    %dot_general3A_34 = arith.constant dense<0.000000e+00> : vector<2048x1xf32>
    %dot_general3A_35 = tpu.matmul %max3A_30, %get3A_33, %dot_general3A_34 {dimension_numbers = #tpu.dot_dimension_numbers<[1], [0], [0], [1], [0, 0, 1, 1], [], []>, transpose_lhs_hint = false} : vector<2048x128xf32>, vector<128x1xf32>, vector<2048x1xf32> -> vector<2048x1xf32>
    %get3A_36 = arith.constant 0 : index
    %get3A_37 = arith.constant 0 : index
    %get3A_38 = vector.load %arg9[%get3A_36, %get3A_37] : memref<1x1xf32, #tpu.memory_space<vmem>>, vector<1x1xf32>
    %add3A_39 = vector.broadcast %get3A_38 : vector<1x1xf32> to vector<2048x1xf32>
    %add3A_40 = arith.addf %dot_general3A_35, %add3A_39 : vector<2048x1xf32>
    %swap3A = arith.constant 0 : index
    %swap3A_41 = arith.constant 0 : index
    %swap3A_42 = vector.load %arg10[%swap3A, %swap3A_41] : memref<2048x1xf32, #tpu.memory_space<vmem>>, vector<2048x1xf32>
    tpu.vector_store %arg10[%swap3A, %swap3A_41], %add3A_40 {strides = array<i32>} : memref<2048x1xf32, #tpu.memory_space<vmem>>, vector<2048x1xf32>,
    return
  }
  func.func @transform_0(%arg0: i32) -> (i32, i32) {
    %c0_i32 = arith.constant 0 : i32
    %c0_i32_0 = arith.constant 0 : i32
    return %arg0, %c0_i32 : i32, i32
  }
  func.func @transform_1(%arg0: i32) -> (i32, i32) {
    %c0_i32 = arith.constant 0 : i32
    %c0_i32_0 = arith.constant 0 : i32
    return %arg0, %c0_i32 : i32, i32
  }
  func.func @transform_2(%arg0: i32) -> (i32, i32) {
    %c0_i32 = arith.constant 0 : i32
    %c0_i32_0 = arith.constant 0 : i32
    %c0_i32_1 = arith.constant 0 : i32
    return %c0_i32, %c0_i32_0 : i32, i32
  }
  func.func @transform_3(%arg0: i32) -> (i32, i32) {
    %c0_i32 = arith.constant 0 : i32
    %c0_i32_0 = arith.constant 0 : i32
    %c0_i32_1 = arith.constant 0 : i32
    return %c0_i32, %c0_i32_0 : i32, i32
  }
  func.func @transform_4(%arg0: i32) -> (i32, i32, i32) {
    %jit3A = arith.constant 4 : i32
    %div3A = arith.divsi %arg0, %jit3A : i32
    %sign3A = arith.constant 0 : i32
    %sign3A_0 = arith.cmpi sgt, %arg0, %sign3A : i32
    %sign3A_1 = arith.extui %sign3A_0 : i1 to i32
    %sign3A_2 = arith.constant 0 : i32
    %sign3A_3 = arith.cmpi slt, %arg0, %sign3A_2 : i32
    %sign3A_4 = arith.extui %sign3A_3 : i1 to i32
    %sign3A_5 = arith.subi %sign3A_1, %sign3A_4 : i32
    %sign3A_6 = arith.constant 0 : i32
    %sign3A_7 = arith.cmpi sgt, %jit3A, %sign3A_6 : i32
    %sign3A_8 = arith.extui %sign3A_7 : i1 to i32
    %sign3A_9 = arith.constant 0 : i32
    %sign3A_10 = arith.cmpi slt, %jit3A, %sign3A_9 : i32
    %sign3A_11 = arith.extui %sign3A_10 : i1 to i32
    %sign3A_12 = arith.subi %sign3A_8, %sign3A_11 : i32
    %ne3A = arith.cmpi ne, %sign3A_5, %sign3A_12 : i32
    %rem3A = arith.remsi %arg0, %jit3A : i32
    %ne3A_13 = arith.constant 0 : i32
    %ne3A_14 = arith.cmpi ne, %rem3A, %ne3A_13 : i32
    %and3A = arith.andi %ne3A, %ne3A_14 : i1
    %sub3A = arith.constant 1 : i32
    %sub3A_15 = arith.subi %div3A, %sub3A : i32
    %select_n3A = arith.select %and3A, %sub3A_15, %div3A : i32
    %c0_i32 = arith.constant 0 : i32
    %c0_i32_16 = arith.constant 0 : i32
    %c0_i32_17 = arith.constant 0 : i32
    return %select_n3A, %c0_i32, %c0_i32_16 : i32, i32, i32
  }
  func.func @transform_5(%arg0: i32) -> (i32, i32) {
    %c0_i32 = arith.constant 0 : i32
    %c0_i32_0 = arith.constant 0 : i32
    %c0_i32_1 = arith.constant 0 : i32
    return %c0_i32, %c0_i32_0 : i32, i32
  }
  func.func @transform_6(%arg0: i32) -> (i32, i32) {
    %c0_i32 = arith.constant 0 : i32
    %c0_i32_0 = arith.constant 0 : i32
    %c0_i32_1 = arith.constant 0 : i32
    return %c0_i32, %c0_i32_0 : i32, i32
  }
  func.func @transform_7(%arg0: i32) -> (i32, i32) {
    %c0_i32 = arith.constant 0 : i32
    %c0_i32_0 = arith.constant 0 : i32
    %c0_i32_1 = arith.constant 0 : i32
    return %c0_i32, %c0_i32_0 : i32, i32
  }
  func.func @transform_8(%arg0: i32) -> (i32, i32) {
    %c0_i32 = arith.constant 0 : i32
    %c0_i32_0 = arith.constant 0 : i32
    %c0_i32_1 = arith.constant 0 : i32
    return %c0_i32, %c0_i32_0 : i32, i32
  }
  func.func @transform_9(%arg0: i32) -> (i32, i32) {
    %c0_i32 = arith.constant 0 : i32
    %c0_i32_0 = arith.constant 0 : i32
    return %arg0, %c0_i32 : i32, i32
  }
}

</mosaic_0001>

<sc_bundles>
// kernel: kernel.4.cloned.1.call-start
scs
__scs_entry_jumppad:
0x0: {  	(pc) =	sbr.rel $0x88, $3  }
0x1: {  	(tag) =	ssettag $0x0;
	lr =	simm.s32 $0x1  }
0x2: {  	[smem:$0x3F98] =	sst lr;
	_ =	strace $0xD0000000  }
0x3: {  	_ = 	snop  }
0x4: {  	_ = 	snop  }
0x5: {  	_ = 	snop  }
0x6: {  	_ = 	snop  }
0x7: {  	_ = 	snop  }
__scs_overlays_trampoline_lowered:
0x8: {  	[smem:$0x3FA7] =	sst s0  }
0x9: {  	[smem:$0x3FA8] =	sst s1  }
0xa: {  	[smem:$0x3FA9] =	sst s2  }
0xb: {  	[smem:$0x3FAA] =	sst s3  }
0xc: {  	[smem:$0x3FAB] =	sst s4  }
0xd: {  	[smem:$0x3FAC] =	sst s5  }
0xe: {  	[smem:$0x3FAD] =	sst s6  }
0xf: {  	[smem:$0x3FAE] =	sst s7  }
0x10: {  	[smem:$0x3FAF] =	sst s8  }
0x11: {  	[smem:$0x3FB0] =	sst s9;
	s0 =	simm.s32 @!p0 $0x0  }
0x12: {  	s1 =	sld [smem:$0x3F96];
	s0 =	simm.s32 @p0 $0x1  }
0x13: {  	[smem:$0x3FB1] =	sst s0;
	s0 =	simm.s32 @!p1 $0x0  }
0x14: {  	s2 =	sld [smem:$0x3F95];
	s0 =	simm.s32 @p1 $0x1  }
0x15: {  	[smem:$0x3FB2] =	sst s0;
	s0 =	simm.s32 @!p2 $0x0  }
0x16: {  	s3 =	sld [smem:$0x3FDB];
	s0 =	simm.s32 @p2 $0x1  }
0x17: {  	s4 =	simm.s32 $0x1BF5;
	[smem:$0x3FB4] =	sst s0  }
0x18: {  	s0 =	sld [smem:$0x3F97];
	_ =	swait.ge [sflag:s4], $0x0  }
0x19: {  	s7 =	sld [smem:$0x3F98]  }
0x1a: {  	s8 =	sadd.s32 $0xFFFFE003, lr  }
0x1b: {  	s9 =	sadd.s32 $0xFFFFFEF7, lr;
	s5 =	simm.s32 $0xFFFFFFFF;
	p2 =	slt.u32 s8, $0xFFFFF086  }
0x1c: {  	p1 =	slt.u32 s9, $0xF7A;
	s5 =	simm.s32 @!p2 $0x0  }
0x1d: {  	s5 =	simm.s32 @p1 $0x1;
	p0 =	seq.s32 s7, s2  }
0x1e: {  	s7 =	smul.u32 @!p0 $0xF7A, s2;
	p2 =	seq.s32 @!p0 s5, $0x0  }
0x1f: {  	s9 =	smul.u32 $0xF7A, s1;
	s8 =	simm.s32 @!p0 $0x1BF5;
	p2 =	por !p2, p0  }
0x20: {  	[sflag:s8] =	ssyncset.s32 @!p0 $0xFFFFF086;
	s6 =	sadd.s32 @!p0 s3, s7;
	s7 =	simm.s32 @!p0 $0x108  }
0x21: {  	s3 =	sadd.s32 s3, s9;
	s6 =	sadd.s32 @!p0 $0x88, s6;
	s7 =	simm.s32 @p2 $0x1082  }
0x22: {  	[simem:s7], [sflag:s8] =	dma.local @!p0 [hbm:s6], $0xF7A  }
0x23: {  	s9 =	sor.u32 $0xD0000000, s2;
	s6 =	simm.s32 $0x108;
	_ =	swait.ge @!p0 [sflag:s8], $0x0  }
0x24: {  	s3 =	sadd.s32 $0x88, s3;
	s6 =	simm.s32 @!p1 $0x1082;
	[sflag:s4] =	ssyncset.s32 $0xFFFFF086  }
0x25: {  	[simem:s6], [sflag:s4] =	dma.local [hbm:s3], $0xF7A  }
0x26: {  	[smem:$0x3F98] =	sst s1;
	(tag) =	ssettag s2;
	_ =	strace s9  }
0x27: {  	s1 =	sld [smem:$0x3FA8]  }
0x28: {  	s2 =	sld [smem:$0x3FA9]  }
0x29: {  	s4 =	sld [smem:$0x3FAB]  }
0x2a: {  	p0 =	seq.s32 s5, $0x0;
	s5 =	sld [smem:$0x3FAC]  }
0x2b: {  	s6 =	sld [smem:$0x3FAD]  }
0x2c: {  	s7 =	sld [smem:$0x3FAE]  }
0x2d: {  	s3 =	simm.s32 $0x108;
	s8 =	sld [smem:$0x3FAF]  }
0x2e: {  	s3 =	simm.s32 @!p0 $0x1082;
	s9 =	sld [smem:$0x3FB0]  }
0x2f: {  	lr =	sadd.s32 s0, s3;
	s0 =	sld [smem:$0x3FA7]  }
0x30: {  	s3 =	sld [smem:$0x3FAA]  }
0x31: {  	[smem:$0x3FB3] =	sst s10  }
0x32: {  	s10 =	sld [smem:$0x3FB1];
	_ =	sdelay $0x3  }
0x33: {  	p0 =	seq.s32 s10, $0x1;
	s10 =	sld [smem:$0x3FB3];
	_ =	sdelay $0x3  }
0x34: {  	[smem:$0x3FB3] =	sst s10  }
0x35: {  	s10 =	sld [smem:$0x3FB2];
	_ =	sdelay $0x3  }
0x36: {  	p1 =	seq.s32 s10, $0x1;
	s10 =	sld [smem:$0x3FB3];
	_ =	sdelay $0x3  }
0x37: {  	[smem:$0x3FB3] =	sst s10  }
0x38: {  	s10 =	sld [smem:$0x3FB4]  }
0x39: {  	_ = 	snop;
	(pc) =	sbr.ind lr, $3  }
0x3a: {  	_ = 	snop  }
0x3b: {  	_ = 	snop  }
0x3c: {  	p2 =	seq.s32 s10, $0x1;
	s10 =	sld [smem:$0x3FB3]  }
0x3d: {  	_ =	shalt  }
0x3e: {  	_ =	shalt  }
0x3f: {  	_ =	shalt  }
0x40: {  	_ =	shalt  }
0x41: {  	_ =	shalt  }
0x42: {  	_ =	shalt  }
0x43: {  	_ =	shalt  }
0x44: {  	_ =	shalt  }
0x45: {  	_ =	shalt  }
0x46: {  	_ =	shalt  }
0x47: {  	_ =	shalt  }
0x48: {  	_ =	shalt  }
0x49: {  	_ =	shalt  }
0x4a: {  	_ =	shalt  }
0x4b: {  	_ =	shalt  }
0x4c: {  	_ =	shalt  }
0x4d: {  	_ =	shalt  }
0x4e: {  	_ =	shalt  }
0x4f: {  	_ =	shalt  }
0x50: {  	_ =	shalt  }
0x51: {  	_ =	shalt  }
0x52: {  	_ =	shalt  }
0x53: {  	_ =	shalt  }
0x54: {  	_ =	shalt  }
0x55: {  	_ =	shalt  }
0x56: {  	_ =	shalt  }
0x57: {  	_ =	shalt  }
0x58: {  	_ =	shalt  }
0x59: {  	_ =	shalt  }
0x5a: {  	_ =	shalt  }
0x5b: {  	_ =	shalt  }
0x5c: {  	_ =	shalt  }
0x5d: {  	_ =	shalt  }
0x5e: {  	_ =	shalt  }
0x5f: {  	_ =	shalt  }
0x60: {  	_ =	shalt  }
0x61: {  	_ =	shalt  }
0x62: {  	_ =	shalt  }
0x63: {  	_ =	shalt  }
0x64: {  	_ =	shalt  }
0x65: {  	_ =	shalt  }
0x66: {  	_ =	shalt  }
0x67: {  	_ =	shalt  }
0x68: {  	_ =	shalt  }
0x69: {  	_ =	shalt  }
0x6a: {  	_ =	shalt  }
0x6b: {  	_ =	shalt  }
0x6c: {  	_ =	shalt  }
0x6d: {  	_ =	shalt  }
0x6e: {  	_ =	shalt  }
0x6f: {  	_ =	shalt  }
0x70: {  	_ =	shalt  }
0x71: {  	_ =	shalt  }
0x72: {  	_ =	shalt  }
0x73: {  	_ =	shalt  }
0x74: {  	_ =	shalt  }
0x75: {  	_ =	shalt  }
0x76: {  	_ =	shalt  }
0x77: {  	_ =	shalt  }
0x78: {  	_ =	shalt  }
0x79: {  	_ =	shalt  }
0x7a: {  	_ =	shalt  }
0x7b: {  	_ =	shalt  }
0x7c: {  	_ =	shalt  }
0x7d: {  	_ =	shalt  }
0x7e: {  	_ =	shalt  }
0x7f: {  	_ =	shalt  }
0x80: {  	_ =	shalt  }
0x81: {  	_ =	shalt  }
0x82: {  	_ =	shalt  }
0x83: {  	_ =	shalt  }
0x84: {  	_ =	shalt  }
0x85: {  	_ =	shalt  }
0x86: {  	_ =	shalt  }
0x87: {  	_ =	shalt  }
.Lfunc_end0:
.L_simem_size_0:
called_computation_lowered:
.L_overlay_start_0:
0x88: {  	s2 =	sld [smem:$0x3FD9]  }
0x89: {  	s3 =	sld [smem:$0x3FFE];
	_ =	sdelay $0x1  }
0x8a: {  	s1 =	srdreg.scid  }
0x8b: {  	s0 =	sand.u32 $0x1, s1  }
0x8c: {  	s16 =	sshll.u32 s0, $0xA;
	s2 =	sadd.s32 s3, s2  }
0x8d: {  	s2 =	sadd.s32 s2, s16  }
0x8e: {  	[smem:$0x3FBF] =	sst s2  }
0x8f: {  	_ = 	snop  }
0x90: {  	(tm) =	ssettm $0x1  }
0x91: {  	s17 =	sld [smem:$0x3FFB];
	_ =	sdelay $0x3  }
0x92: {  	_ =	strace s17  }
0x93: {  	s2 =	sld [smem:$0x3FFC];
	_ =	sdelay $0x3  }
0x94: {  	_ =	strace s2  }
0x95: {  	s2 =	sld [smem:$0x3FFD];
	_ =	sdelay $0x3  }
0x96: {  	_ =	strace s2  }
0x97: {  	_ =	strace $0x8FFFFFFF  }
0x98: {  	s18 =	sld [smem:$0x3FDB];
	_ =	sdelay $0x1  }
0x99: {  	s19 =	simm.s32 $_scs_section_size  }
0x9a: {  	s4 =	simm.s32 $_size__tile_overlayer_lowered;
	s5 =	simm.s32 $_tile_overlayer_lowered  }
0x9b: {  	s22 =	simm.s32 $0x1BFF;
	s21 =	sshll.u32 s5, $0x1;
	s2 =	sadd.s32 s19, s18  }
0x9c: {  	s6 =	simm.s32 $0x0;
	s20 =	sshll.u32 s4, $0x1;
	s4 =	sadd.s32 s21, s2  }
0x9d: {  	[timem:s6], [sflag:s22] =	dma.local [hbm:s4], s20  }
0x9e: {  	_ =	swait.ge [sflag:s22], s20  }
0x9f: {  	s3 =	ssub.s32 $0x0, s20;
	[sflag:s22] =	ssyncset.done $0x0  }
0xa0: {  	[sflag:s22] =	ssyncadd.s32 s3;
	_ =	sdelay $0x1  }
0xa1: {  	s23 =	simm.s32 $0x1B8B  }
0xa2: {  	_ =	swait.ge [sflag:s23], $0x1  }
0xa3: {  	[sflag:s23] =	ssyncset.done $0x0  }
0xa4: {  	s25 =	simm.s32 $0x1B8E;
	s24 =	sld [smem:$0x3FFE];
	[sflag:s23] =	ssyncadd.s32 $0xFFFFFFFF  }
0xa5: {  	s26 =	simm.s32 $execute0_lowered;
	[smem:$0x3FD2] =	sst s25  }
0xa6: {  	s4 =	sshll.u32 s26, $0x1;
	_ =	strace $0x80000046;
	[dreg:$0x1] =	wrdreg $0xFFFFFFFF  }
0xa7: {  	s28 =	simm.s32 $_size_execute0_lowered;
	s2 =	sadd.s32 s2, s4;
	[dreg:$0x0] =	wrdreg $0x0  }
0xa8: {  	s4 =	sshll.u32 s28, $0x1;
	[dreg:$0x2] =	wrdreg s2  }
0xa9: {  	[dreg:$0x3] =	wrdreg s4  }
0xaa: {  	[dreg:$0x4] =	wrdreg $0xC0  }
0xab: {  	_ =	task [dreg:s6], $0x5FFFF  }
0xac: {  	[dreg:$0x1] =	wrdreg $0xFFFFFFFF  }
0xad: {  	[dreg:$0x0] =	wrdreg $0x60  }
0xae: {  	[dreg:$0x2] =	wrdreg s24  }
0xaf: {  	[dreg:$0x3] =	wrdreg $0x9  }
0xb0: {  	_ =	task.clear_ibuf [dreg:s6], $0x4FFFF;
	_ =	strace $0x90000046  }
0xb1: {  	s29 =	simm.s32 $0x9;
	_ =	strace $0x80000048  }
0xb2: {  	_ =	swait.ge [sflag:s29], $0x1  }
0xb3: {  	[sflag:s29] =	ssyncadd.s32 $0xFFFFFFFF  }
0xb4: {  	_ =	strace $0x90000048  }
0xb5: {  	_ =	sfence  }
0xb6: {  	s30 =	sld [smem:$0x0];
	_ =	sdelay $0x2  }
0xb7: {  	s31 =	sshll.u32 s1, $0xD;
	s1 =	sshrl.u32 s1, $0x2  }
0xb8: {  	s3 =	sand.u32 $0x4000, s31;
	s1 =	sadd.s32 s1, s30  }
0xb9: {  	s0 =	sor.u32 s3, s0;
	s1 =	sshll.u32 s1, $0x11  }
0xba: {  	s0 =	sor.u32 s1, s0  }
0xbb: {  	s0 =	sadd.s32 $0x8F2B, s0  }
0xbc: {  	[sflag:s0] =	ssyncadd.remote.s32 $0x1  }
0xbd: {  	_ =	sfence.sel $0xFFFF  }
0xbe: {  	[dreg:$0x0] =	wrdreg $0xFFFFFFFF;
	(pc) =	sbr.abs _section_cstart, $3  }
0xbf: {  	[dreg:$0x1] =	wrdreg $0xFFFFFFFF  }
0xc0: {  	_ =	task.clear_ibuf [dreg:s6], $0x2FFFF;
	_ =	strace $0x9FFFFFFF  }
0xc1: {  	(tm) =	ssettm $0x7FFFFFFF  }
tec
execute0_lowered:
.L_overlay_start_1:
0x0: {  	(tag) =	ssettag $0x1  }
0x1: {  	s0 =	srdreg.scid  }
0x2: {  	s4 =	sand.u32 $0x1, s0  }
0x3: {  	s3 =	simm.s32 $0x1;
	s0 =	stileid.u32;
	s1 =	sshll.u32 s4, $0x4  }
0x4: {  	s5 =	rddreg [dreg:$0x0];
	s30 =	sand.u32 $0x7, s0;
	s10 =	sor.u32 s0, s1  }
0x5: {  	s2 =	simm.s32 $0x0;
	p1 =	sne.s32 s30, $0x0;
	p0 =	seq.s32 s10, $0x0  }
0x6: {  	[smem:$0x7FF] =	sst s2;
	s7 =	sadd.s32 $0xA00, s5;
	p0 =	por !p1, !p0  }
0x7: {  	s13 =	sadd.s32 $0x2A00, s5;
	s4 =	ssub.s32 $0x2, s4;
	p0 =	por !p0, !p0  }
0x8: {  	s1 =	rddreg [dreg:$0x1];
	s6 =	sshrl.u32 s10, $0x3;
	s3 =	simm.s32 @!p0 $0x0  }
0x9: {  	_ =	strace $0x80000047;
	s12 =	sshrl.u32 s4, $0x1;
	s6 =	ssub.s32 s6, s3  }
0xa: {  	s12 =	ssub.s32 s4, s12;
	s11 =	sshll.u32 s6, $0x3;
	s6 =	sshll.u32 s6, $0xD  }
0xb: {  	s3 =	simm.s32 $0x1;
	s8 =	ssub.s32 s10, s11;
	s9 =	sshrl.u32 s6, $0x3  }
.Ltmp0:
0xc: {  	p0 =	sne.s32 s10, s11;
	s8 =	sshll.u32 s8, $0xA;
	(pc) =	sbr.rel .LBB2_1-.Ltmp0, $4  }
0xd: {  	s10 =	simm.s32 $0x4000;
	s11 =	simm.s32 $0x2000;
	s6 =	sadd.s32 s6, s8  }
0xe: {  	s31 =	sadd.s32 s9, s5;
	s8 =	sadd.s32 s13, s9;
	s6 =	sshrl.u32 s6, $0x3  }
0xf: {  	s4 =	sadd.s32 s7, s6;
	s5 =	sadd.s32 s13, s6;
	s6 =	sadd.s32 s7, s9  }
0x10: {  	v0 =	vimm.s32 $0x0;
	s7 =	sadd.s32 $0x1A00, s31;
	s9 =	smax.u32 s12, $0x1;
	s12 =	simm.s32 $0x0  }
.LBB2_20:
0x11: {  	s12 =	sadd.s32 $0x1, s12  }
0x12: {  	p1 =	sne.s32 s12, s9  }
.Ltmp1:
0x13: {  	_ = 	snop;
	(pc) =	sbr.rel @!p1 .LBB2_21-.Ltmp1, $1  }
0x14: {  	_ =	sdelay $0x3  }
.LBB2_1:
0x15: {  	[tilespmem:s2], [sflag:$0x1] =	stream.linear.gather [hbm4b:s4+s2], $0x400, $0x38;
	[tilespmem:$0x6080] =	vst v63  }
0x16: {  	_ =	swait.ge [sflag:s3], $0x400  }
0x17: {  	[sflag:s3] =	ssyncset.done $0x0  }
0x18: {  	s13 =	simm.s32 $0x0;
	[sflag:s3] =	ssyncadd.s32 $0xFFFFFC00  }
0x19: {  	v1 =	vld [tilespmem:s13+$0x0]  }
0x1a: {  	s14 =	simm.s32 $0x40  }
.LBB2_2:
0x1b: {  	p1 =	sne.s32 s14, $0xFC0  }
.Ltmp2:
0x1c: {  	_ = 	snop;
	(pc) =	sbr.rel @p1 .LBB2_2-.Ltmp2, $4  }
0x1d: {  	_ = 	snop  }
0x1e: {  	s15 =	sshra.s32 s14, $0x2;
	s14 =	sadd.s32 $0x40, s14;
	vm0 =	vgt.f32 v1, $0.0e+00  }
0x1f: {  	v1 =	vld [tilespmem:s15+$0x0];
	v2 =	vsel vm0, $0x1, v0  }
0x20: {  	[tilespmem:s13+$0x4000] =	vst v2;
	s13 =	smov.u32 s15  }
0x21: {  	_ =	sdelay $0x2  }
0x22: {  	vm0 =	vgt.f32 v1, $0.0e+00  }
0x23: {  	v1 =	vsel vm0, $0x1, v0  }
0x24: {  	[tilespmem:s13+$0x4000] =	vst v1  }
0x25: {  	[hbm4b:s5+s2] =	stream.linear.scatter [tilespmem:s10], [sflag:$0x1], $0x400, $0x38;
	[tilespmem:$0x6080] =	vst v63  }
.Ltmp3:
0x26: {  	_ =	swait.ge [sflag:s3], $0x400;
	(pc) =	sbr.rel @p0 .LBB2_20-.Ltmp3, $3  }
0x27: {  	[sflag:s3] =	ssyncset.done $0x0  }
0x28: {  	[sflag:s3] =	ssyncadd.s32 $0xFFFFFC00  }
0x29: {  	[bflag:$0x0] =	sbarrier.arrive $0xFFFF;
	_ =	sdelay $0x1  }
0x2a: {  	s13 =	simm.s32 $0x0  }
0x2b: {  	[tilespmem:s13], [sflag:$0x1] =	stream.linear.gather [hbm4b:s6+s13], $0x2000, $0x38;
	[tilespmem:$0x6080] =	vst v63  }
0x2c: {  	_ =	swait.ge [sflag:s3], $0x2000  }
0x2d: {  	[sflag:s3] =	ssyncset.done $0x0  }
0x2e: {  	s14 =	simm.s32 $0x0;
	[sflag:s3] =	ssyncadd.s32 $0xFFFFE000  }
0x2f: {  	v2 =	vld [tilespmem:s14+$0x0]  }
0x30: {  	v1 =	vimm.s32 $0x0;
	s13 =	simm.s32 $0x40  }
.LBB2_5:
0x31: {  	p1 =	sne.s32 s13, $0x7FC0  }
.Ltmp4:
0x32: {  	_ = 	snop;
	(pc) =	sbr.rel @p1 .LBB2_5-.Ltmp4, $4  }
0x33: {  	_ = 	snop  }
0x34: {  	s14 =	sshra.s32 s13, $0x2;
	s13 =	sadd.s32 $0x40, s13;
	vm0 =	vle.f32 v2, $0.0e+00  }
0x35: {  	v2 =	vld [tilespmem:s14+$0x0];
	v3 =	vsel vm0, $0x1, v0  }
0x36: {  	v1 =	vadd.s32 v3, v1  }
0x37: {  	_ =	sdelay $0x2  }
0x38: {  	vm0 =	vle.f32 v2, $0.0e+00  }
0x39: {  	v2 =	vsel vm0, $0x1, v0  }
0x3a: {  	v1 =	vadd.s32 v2, v1  }
0x3b: {  	[tilespmem:$0x6000] =	vst v1  }
0x3c: {  	[tilespmem:$0x6010] =	vst v1  }
0x3d: {  	v2 =	vld [tilespmem:$0x6008];
	_ =	sdelay $0x4  }
0x3e: {  	v1 =	vadd.s32 v1, v2  }
0x3f: {  	[tilespmem:$0x6000] =	vst v1  }
0x40: {  	[tilespmem:$0x6010] =	vst v1  }
0x41: {  	v2 =	vld [tilespmem:$0x6004];
	_ =	sdelay $0x4  }
0x42: {  	v1 =	vadd.s32 v1, v2  }
0x43: {  	[tilespmem:$0x6000] =	vst v1  }
0x44: {  	[tilespmem:$0x6010] =	vst v1  }
0x45: {  	v2 =	vld [tilespmem:$0x6002];
	_ =	sdelay $0x4  }
0x46: {  	v1 =	vadd.s32 v1, v2  }
0x47: {  	[tilespmem:$0x6000] =	vst v1  }
0x48: {  	[tilespmem:$0x6010] =	vst v1  }
0x49: {  	v2 =	vld [tilespmem:$0x6001];
	_ =	sdelay $0x4  }
0x4a: {  	v1 =	vadd.s32 v2, v1  }
0x4b: {  	v2 =	vsub.s32 $0x666, v1  }
0x4c: {  	(v2sf) =	vpush v2, $0x0;
	_ =	sdelay $0xe  }
0x4d: {  	s13 =	spop (v2sf)  }
0x4e: {  	p1 =	slt.s32 s13, $0x1  }
.Ltmp5:
0x4f: {  	_ = 	snop;
	(pc) =	sbr.rel @p1 .LBB2_20-.Ltmp5, $1  }
0x50: {  	_ =	sdelay $0x3  }
0x51: {  	s13 =	simm.s32 $0x0  }
0x52: {  	[tilespmem:s11], [sflag:$0x1] =	stream.linear.gather [hbm4b:s7+s13], $0x2000, $0x38;
	[tilespmem:$0x6080] =	vst v63  }
0x53: {  	_ =	swait.ge [sflag:s3], $0x2000  }
0x54: {  	[sflag:s3] =	ssyncset.done $0x0  }
0x55: {  	v3 =	vimm.s32 $0xFFFFFFFF;
	v1 =	vimm.s32 $0x7F800000;
	[sflag:s3] =	ssyncadd.s32 $0xFFFFE000  }
.LBB2_8:
0x56: {  	s15 =	simm.s32 $0x0  }
0x57: {  	v6 =	vld [tilespmem:s15+$0x0]  }
0x58: {  	v4 =	vsub.s32 v1, v3;
	v7 =	vld [tilespmem:s15+$0x2000]  }
0x59: {  	v4 =	vshra.s32 v4, $0x1  }
0x5a: {  	v5 =	vimm.s32 $0x0;
	s14 =	simm.s32 $0x40;
	v4 =	vadd.s32 v3, v4  }
.LBB2_9:
0x5b: {  	p1 =	sne.s32 s14, $0x7FC0  }
.Ltmp6:
0x5c: {  	s15 =	sshra.s32 s14, $0x2;
	s14 =	sadd.s32 $0x40, s14;
	vm0 =	vgt.f32 v6, $0.0e+00;
	(pc) =	sbr.rel @p1 .LBB2_9-.Ltmp6, $4  }
0x5d: {  	v6 =	vld [tilespmem:s15+$0x0];
	v8 =	vnsel vm0, $0x7F800000, v7  }
0x5e: {  	v7 =	vld [tilespmem:s15+$0x2000];
	vm0 =	vle.s32 v8, v4  }
0x5f: {  	v8 =	vsel vm0, $0x1, v0  }
0x60: {  	v5 =	vadd.s32 v8, v5  }
0x61: {  	_ = 	snop  }
0x62: {  	vm0 =	vgt.f32 v6, $0.0e+00  }
0x63: {  	v6 =	vnsel vm0, $0x7F800000, v7  }
0x64: {  	vm0 =	vle.s32 v6, v4  }
0x65: {  	v6 =	vsel vm0, $0x1, v0  }
0x66: {  	v5 =	vadd.s32 v6, v5  }
0x67: {  	[tilespmem:$0x6000] =	vst v5  }
0x68: {  	[tilespmem:$0x6010] =	vst v5  }
0x69: {  	v60 =	vld [tilespmem:$0x6008];
	_ =	sdelay $0x4  }
0x6a: {  	v5 =	vadd.s32 v5, v60  }
0x6b: {  	[tilespmem:$0x6000] =	vst v5  }
0x6c: {  	[tilespmem:$0x6010] =	vst v5  }
0x6d: {  	v61 =	vld [tilespmem:$0x6004];
	_ =	sdelay $0x4  }
0x6e: {  	v5 =	vadd.s32 v5, v61  }
0x6f: {  	[tilespmem:$0x6000] =	vst v5  }
0x70: {  	[tilespmem:$0x6010] =	vst v5  }
0x71: {  	v62 =	vld [tilespmem:$0x6002];
	_ =	sdelay $0x4  }
0x72: {  	v5 =	vadd.s32 v5, v62  }
0x73: {  	[tilespmem:$0x6000] =	vst v5  }
0x74: {  	[tilespmem:$0x6010] =	vst v5  }
0x75: {  	v63 =	vld [tilespmem:$0x6001]  }
0x76: {  	s13 =	sadd.s32 $0x1, s13  }
0x77: {  	p1 =	sne.s32 s13, $0x20  }
.Ltmp7:
0x78: {  	_ = 	snop;
	(pc) =	sbr.rel @p1 .LBB2_8-.Ltmp7, $4  }
0x79: {  	_ = 	snop  }
0x7a: {  	v5 =	vadd.s32 v5, v63  }
0x7b: {  	vm15 =	vlt.s32 v5, v2  }
0x7c: {  	v3 =	vsel vm15, v4, v3;
	v1 =	vsel vm15, v1, v4  }
0x7d: {  	s14 =	simm.s32 $0x0  }
0x7e: {  	v5 =	vld [tilespmem:s14+$0x0]  }
0x7f: {  	v6 =	vld [tilespmem:s14+$0x2000];
	_ =	sdelay $0x1  }
0x80: {  	v4 =	vadd.s32 $0xFFFFFFFF, v1;
	v3 =	vimm.s32 $0x0;
	s13 =	simm.s32 $0x40  }
.LBB2_12:
0x81: {  	p1 =	sne.s32 s13, $0x7FC0  }
.Ltmp8:
0x82: {  	s14 =	sshra.s32 s13, $0x2;
	s13 =	sadd.s32 $0x40, s13;
	vm0 =	vgt.f32 v5, $0.0e+00;
	(pc) =	sbr.rel @p1 .LBB2_12-.Ltmp8, $4  }
0x83: {  	v5 =	vld [tilespmem:s14+$0x0];
	v7 =	vnsel vm0, $0x7F800000, v6  }
0x84: {  	v6 =	vld [tilespmem:s14+$0x2000];
	vm0 =	vle.s32 v7, v4  }
0x85: {  	v7 =	vsel vm0, $0x1, v0  }
0x86: {  	v3 =	vadd.s32 v7, v3  }
0x87: {  	_ = 	snop  }
0x88: {  	vm0 =	vgt.f32 v5, $0.0e+00  }
0x89: {  	v5 =	vnsel vm0, $0x7F800000, v6  }
0x8a: {  	vm0 =	vle.s32 v5, v4  }
0x8b: {  	v4 =	vsel vm0, $0x1, v0  }
0x8c: {  	v3 =	vadd.s32 v4, v3  }
0x8d: {  	[tilespmem:$0x6000] =	vst v3  }
0x8e: {  	[tilespmem:$0x6010] =	vst v3  }
0x8f: {  	v4 =	vld [tilespmem:$0x6008];
	_ =	sdelay $0x4  }
0x90: {  	v3 =	vadd.s32 v3, v4  }
0x91: {  	[tilespmem:$0x6000] =	vst v3  }
0x92: {  	[tilespmem:$0x6010] =	vst v3  }
0x93: {  	v4 =	vld [tilespmem:$0x6004];
	_ =	sdelay $0x4  }
0x94: {  	v3 =	vadd.s32 v3, v4  }
0x95: {  	[tilespmem:$0x6000] =	vst v3  }
0x96: {  	[tilespmem:$0x6010] =	vst v3  }
0x97: {  	v4 =	vld [tilespmem:$0x6002];
	_ =	sdelay $0x4  }
0x98: {  	v3 =	vadd.s32 v3, v4  }
0x99: {  	[tilespmem:$0x6000] =	vst v3  }
0x9a: {  	[tilespmem:$0x6010] =	vst v3  }
0x9b: {  	v4 =	vld [tilespmem:$0x6001];
	_ =	sdelay $0x4  }
0x9c: {  	v3 =	vadd.s32 v4, v3  }
0x9d: {  	s13 =	simm.s32 $0x0;
	v4 =	vimm.s32 $0xFFFFFFFF;
	v3 =	vsub.s32 v2, v3;
	v2 =	vimm.s32 $0x1FFF  }
.LBB2_14:
0x9e: {  	s14 =	simm.s32 $0x0  }
0x9f: {  	v5 =	vld [tilespmem:s14+$0x0]  }
0xa0: {  	v7 =	vld [tilespmem:s14+$0x2000];
	_ =	sdelay $0x2  }
0xa1: {  	v6 =	vsub.s32 v2, v4  }
0xa2: {  	s15 =	simm.s32 $0x10;
	v6 =	vshra.s32 v6, $0x1;
	vm0 =	vgt.f32 v5, $0.0e+00  }
0xa3: {  	v8 =	vld [tilespmem:s15+$0x0];
	v5 =	vadd.s32 v4, v6;
	v6 =	vlaneseq.u32;
	v7 =	vnsel vm0, $0x7F800000, v7  }
0xa4: {  	v9 =	vld [tilespmem:s15+$0x2000];
	vm1 =	vle.s32 v6, v5;
	vm0 =	veq.s32 v7, v1  }
0xa5: {  	vm0 =	vmand vm1, vm0  }
0xa6: {  	v7 =	vimm.s32 $0x0;
	v10 =	vsel vm0, $0x1, v0  }
0xa7: {  	s14 =	simm.s32 $0x80;
	v7 =	vadd.s32 v10, v7  }
.LBB2_15:
0xa8: {  	s15 =	sshra.s32 s14, $0x2;
	p1 =	sne.s32 s14, $0x7FC0;
	s14 =	sadd.s32 $0x40, s14;
	vm0 =	vgt.f32 v8, $0.0e+00  }
.Ltmp9:
0xa9: {  	v6 =	vadd.s32 $0x10, v6;
	v8 =	vld [tilespmem:s15+$0x0];
	v10 =	vnsel vm0, $0x7F800000, v9;
	(pc) =	sbr.rel @p1 .LBB2_15-.Ltmp9, $4  }
0xaa: {  	vm1 =	vle.s32 v6, v5;
	v9 =	vld [tilespmem:s15+$0x2000];
	vm0 =	veq.s32 v10, v1  }
0xab: {  	vm0 =	vmand vm1, vm0  }
0xac: {  	v10 =	vsel vm0, $0x1, v0  }
0xad: {  	v7 =	vadd.s32 v10, v7  }
0xae: {  	vm0 =	vgt.f32 v8, $0.0e+00  }
0xaf: {  	v6 =	vadd.s32 $0x10, v6;
	v8 =	vnsel vm0, $0x7F800000, v9  }
0xb0: {  	vm1 =	vle.s32 v6, v5;
	vm0 =	veq.s32 v8, v1  }
0xb1: {  	vm0 =	vmand vm1, vm0  }
0xb2: {  	v6 =	vsel vm0, $0x1, v0  }
0xb3: {  	v6 =	vadd.s32 v6, v7  }
0xb4: {  	[tilespmem:$0x6000] =	vst v6  }
0xb5: {  	[tilespmem:$0x6010] =	vst v6  }
0xb6: {  	v7 =	vld [tilespmem:$0x6008];
	_ =	sdelay $0x4  }
0xb7: {  	v6 =	vadd.s32 v6, v7  }
0xb8: {  	[tilespmem:$0x6000] =	vst v6  }
0xb9: {  	[tilespmem:$0x6010] =	vst v6  }
0xba: {  	v7 =	vld [tilespmem:$0x6004];
	_ =	sdelay $0x4  }
0xbb: {  	v6 =	vadd.s32 v6, v7  }
0xbc: {  	[tilespmem:$0x6000] =	vst v6  }
0xbd: {  	[tilespmem:$0x6010] =	vst v6  }
0xbe: {  	v7 =	vld [tilespmem:$0x6002];
	_ =	sdelay $0x4  }
0xbf: {  	v6 =	vadd.s32 v6, v7  }
0xc0: {  	[tilespmem:$0x6000] =	vst v6  }
0xc1: {  	[tilespmem:$0x6010] =	vst v6  }
0xc2: {  	v7 =	vld [tilespmem:$0x6001]  }
0xc3: {  	s13 =	sadd.s32 $0x1, s13  }
0xc4: {  	p1 =	sne.s32 s13, $0xE  }
.Ltmp10:
0xc5: {  	_ = 	snop;
	(pc) =	sbr.rel @p1 .LBB2_14-.Ltmp10, $4  }
0xc6: {  	_ = 	snop  }
0xc7: {  	v6 =	vadd.s32 v6, v7  }
0xc8: {  	vm15 =	vlt.s32 v6, v3  }
0xc9: {  	v4 =	vsel vm15, v5, v4;
	v2 =	vsel vm15, v2, v5  }
0xca: {  	s13 =	simm.s32 $0x0  }
0xcb: {  	v3 =	vld [tilespmem:s13+$0x0]  }
0xcc: {  	v4 =	vld [tilespmem:s13+$0x2000];
	_ =	sdelay $0x3  }
0xcd: {  	vm0 =	vgt.f32 v3, $0.0e+00  }
0xce: {  	s14 =	simm.s32 $0x10;
	v4 =	vnsel vm0, $0x7F800000, v4  }
0xcf: {  	v3 =	vlaneseq.u32;
	vm1 =	veq.s32 v4, v1;
	vm3 =	vge.s32 v4, v1;
	v4 =	vld [tilespmem:s14+$0x0]  }
0xd0: {  	v5 =	vld [tilespmem:s14+$0x2000];
	vm2 =	vle.s32 v3, v2  }
0xd1: {  	vm1 =	vmand vm2, vm1  }
0xd2: {  	v7 =	vsel vm3, $0x1, v0;
	v6 =	vsel vm1, $0xFFFFFFFF, v0  }
0xd3: {  	s15 =	simm.s32 $0x80;
	v6 =	vadd.s32 v6, v7  }
.LBB2_18:
0xd4: {  	s16 =	sshra.s32 s15, $0x2;
	p1 =	sne.s32 s15, $0x7FC0;
	s15 =	sadd.s32 $0x40, s15;
	v6 =	vnsel vm0, $0x0, v6;
	vm0 =	vgt.f32 v4, $0.0e+00  }
.Ltmp11:
0xd5: {  	v3 =	vadd.s32 $0x10, v3;
	v4 =	vld [tilespmem:s16+$0x0];
	v7 =	vnsel vm0, $0x7F800000, v5;
	[tilespmem:s13+$0x4000] =	vst v6;
	s13 =	smov.u32 s14;
	s14 =	smov.u32 s16;
	(pc) =	sbr.rel @p1 .LBB2_18-.Ltmp11, $4  }
0xd6: {  	vm2 =	vle.s32 v3, v2;
	v5 =	vld [tilespmem:s14+$0x2000];
	vm1 =	veq.s32 v7, v1  }
0xd7: {  	vm3 =	vge.s32 v7, v1;
	vm1 =	vmand vm2, vm1  }
0xd8: {  	v7 =	vsel vm3, $0x1, v0;
	v6 =	vsel vm1, $0xFFFFFFFF, v0  }
0xd9: {  	v6 =	vadd.s32 v6, v7  }
0xda: {  	vm1 =	vgt.f32 v4, $0.0e+00  }
0xdb: {  	v3 =	vadd.s32 $0x10, v3;
	v4 =	vnsel vm1, $0x7F800000, v5  }
0xdc: {  	vm2 =	vle.s32 v3, v2;
	vm3 =	veq.s32 v4, v1  }
0xdd: {  	vm15 =	vge.s32 v4, v1;
	vm2 =	vmand vm2, vm3  }
0xde: {  	v2 =	vsel vm15, $0x1, v0;
	v1 =	vsel vm2, $0xFFFFFFFF, v0  }
0xdf: {  	v3 =	vnsel vm0, $0x0, v6;
	v1 =	vadd.s32 v1, v2  }
0xe0: {  	[tilespmem:s13+$0x4000] =	vst v3;
	v1 =	vnsel vm1, $0x0, v1  }
.Ltmp12:
0xe1: {  	[tilespmem:s14+$0x4000] =	vst v1;
	(pc) =	sbr.rel .LBB2_20-.Ltmp12, $4  }
0xe2: {  	[hbm4b:s8+s2] =	stream.linear.scatter [tilespmem:s10], [sflag:$0x1], $0x2000, $0x38;
	[tilespmem:$0x6080] =	vst v63  }
0xe3: {  	_ =	swait.ge [sflag:s3], $0x2000  }
0xe4: {  	[sflag:s3] =	ssyncset.done $0x0  }
0xe5: {  	[sflag:s3] =	ssyncadd.s32 $0xFFFFE000  }
.LBB2_21:
0xe6: {  	_ =	sfence.sel $0x180000  }
0xe7: {  	[bflag:$0x0] =	sbarrier.arrive $0xFFFF  }
0xe8: {  	p0 =	sne.s32 s0, $0x0;
	_ =	strace $0x90000047  }
0xe9: {  	s0 =	sadd.s32 @!p0 $0x100000, s1;
	[bflag:$0x2] =	sbarrier.arrive $0xFFFF  }
0xea: {  	[sflag:s0] =	ssyncadd.tile.s32 @!p0 $0x1;
	_ =	shalt  }
.Lfunc_end2:
_tile_overlayer_lowered:
.L_overlay_start_2:
0xeb: {  	(tag) =	ssettag $0x2  }
0xec: {  	s0 =	rddreg [dreg:$0x0];
	s2 =	stileid.u32  }
0xed: {  	s1 =	rddreg [dreg:$0x1];
	p0 =	sne.s32 s2, $0x0  }
0xee: {  	s3 =	rddreg [dreg:$0x2];
	[bflag:$0x3] =	sbarrier.arrive $0xFFFF;
	s2 =	simm.s32 @!p0 $0x1C01  }
0xef: {  	[timem:s3], [sflag:s2] =	dma.local @!p0 [hbm:s0], s1  }
0xf0: {  	s0 =	simm.s32 @!p0 $0x1  }
0xf1: {  	_ =	swait.ge @!p0 [sflag:s0], s1  }
0xf2: {  	s1 =	ssub.s32 @!p0 $0x0, s1;
	[sflag:s0] =	ssyncset.done @!p0 $0x0  }
0xf3: {  	[sflag:s0] =	ssyncadd.s32 @!p0 s1  }
0xf4: {  	[bflag:$0x3] =	sbarrier.arrive $0xFFFF  }
0xf5: {  	_ =	shalt  }

</sc_bundles>
